<compile_context>
chip_gen: v7x
topology: tpu7x:2x2x1
jax: 0.10.2.dev20260603
libtpu: 0.0.44.dev20260713+nightly
codegen_flags: <defaults>
</compile_context>

<pallas_src>
import functools

import jax
import jax.numpy as jnp
from jax import lax
from jax.experimental import pallas as pl
from jax.experimental.pallas import tpu as pltpu
from jax.experimental.pallas import tpu_sc as plsc

NITEMS = 1000000
EMB = 32
BATCH = 16384


_LB = 8192
_NBLK = -(-NITEMS // _LB)
_NPAD = _NBLK * _LB
_KQ = 8
_SEG = _LB // _KQ
_TAIL = NITEMS - (_NBLK - 1) * _LB


def _tr_body(tT_any, tail_ref, o_any, bin_, bout, rsems, wsems):
    i = pl.program_id(0)
    slot = lax.rem(i, 2)
    nslot = lax.rem(i + 1, 2)

    def rcopy(s, blk_i, k):
        return pltpu.make_async_copy(
            tT_any.at[:, pl.ds(blk_i * _LB + k * _SEG, _SEG)],
            bin_.at[s, :, pl.ds(k * _SEG, _SEG)],
            rsems.at[s, k],
        )

    def wcopy(s, blk_i, k):
        return pltpu.make_async_copy(
            bout.at[s, pl.ds(k * _SEG, _SEG)],
            o_any.at[pl.ds(blk_i * _LB + k * _SEG, _SEG)],
            wsems.at[s, k],
        )

    @pl.when(i == 0)
    def _():
        for k in range(_KQ):
            rcopy(0, 0, k).start()

    @pl.when(i + 1 < _NBLK - 1)
    def _():
        for k in range(_KQ):
            rcopy(nslot, i + 1, k).start()

    @pl.when(i < _NBLK - 1)
    def _():
        for k in range(_KQ):
            rcopy(slot, i, k).wait()

    @pl.when(i >= 2)
    def _():
        for k in range(_KQ):
            wcopy(slot, i - 2, k).wait()

    @pl.when(i < _NBLK - 1)
    def _():
        bout[slot] = bin_[slot].T

    @pl.when(i == _NBLK - 1)
    def _():
        bout[(_NBLK - 1) % 2, : _TAIL] = tail_ref[...].T

    for k in range(_KQ):
        wcopy(slot, i, k).start()

    @pl.when(i == _NBLK - 1)
    def _():
        s_last = (_NBLK - 1) % 2
        for k in range(_KQ):
            wcopy(1 - s_last, _NBLK - 2, k).wait()
        for k in range(_KQ):
            wcopy(s_last, _NBLK - 1, k).wait()


def _relayout(tableT):
    return pl.pallas_call(
        _tr_body,
        grid=(_NBLK,),
        in_specs=[
            pl.BlockSpec(memory_space=pl.ANY),
            pl.BlockSpec((EMB, _TAIL), lambda i: (0, 0)),
        ],
        out_specs=pl.BlockSpec(memory_space=pl.ANY),
        out_shape=jax.ShapeDtypeStruct((_NPAD, EMB), jnp.float32),
        scratch_shapes=[
            pltpu.VMEM((2, EMB, _LB), jnp.float32),
            pltpu.VMEM((2, _LB, EMB), jnp.float32),
            pltpu.SemaphoreType.DMA((2, _KQ)),
            pltpu.SemaphoreType.DMA((2, _KQ)),
        ],
    )(tableT, lax.slice(tableT, (0, (_NBLK - 1) * _LB), (EMB, NITEMS)))



_NC = 2
_NS = 16
_NW = _NC * _NS
_BPW = BATCH // _NW
_UNROLL = 16


def _gather_body(table_hbm, idx_hbm, out_hbm, idx_v, rows_v, sem):
    wid = lax.axis_index("s") * _NC + lax.axis_index("c")
    base = wid * _BPW
    pltpu.sync_copy(idx_hbm.at[pl.ds(base, _BPW)], idx_v)

    def fire(i, carry):
        v = idx_v[pl.ds(i * _UNROLL, _UNROLL)]
        for k in range(_UNROLL):
            pltpu.async_copy(
                table_hbm.at[pl.ds(v[k], 1)],
                rows_v.at[pl.ds(i * _UNROLL + k, 1)],
                sem,
            )
        return carry

    lax.fori_loop(0, _BPW // _UNROLL, fire, 0, unroll=False)
    pltpu.make_async_copy(table_hbm.at[pl.ds(0, _BPW)], rows_v, sem).wait()
    pltpu.sync_copy(rows_v, out_hbm.at[pl.ds(base, _BPW)])


def _sc_gather(table, idx):
    mesh = plsc.VectorSubcoreMesh(core_axis_name="c", subcore_axis_name="s")
    fn = functools.partial(
        pl.kernel,
        mesh=mesh,
        out_type=jax.ShapeDtypeStruct((BATCH, EMB), jnp.float32),
        scratch_types=[
            pltpu.VMEM((_BPW,), jnp.int32),
            pltpu.VMEM((_BPW, EMB), jnp.float32),
            pltpu.SemaphoreType.DMA,
        ],
    )(_gather_body)
    return fn(table, idx)



_BB = 2048


def _mlp_body(x_ref, w1_ref, b1_ref, w2_ref, b2_ref, w3_ref, b3_ref, oT_ref):
    x = x_ref[...]
    h = jnp.dot(x, w1_ref[...], preferred_element_type=jnp.float32) + b1_ref[...]
    h = jnp.maximum(h, 0.0)
    h = jnp.dot(h, w2_ref[...], preferred_element_type=jnp.float32) + b2_ref[...]
    h = jnp.maximum(h, 0.0)
    oT_ref[...] = (
        lax.dot_general(
            w3_ref[...], h, (((0,), (1,)), ((), ())),
            preferred_element_type=jnp.float32,
        )
        + b3_ref[...]
    )


def _mlp(x, W1, b1, W2, b2, W3, b3):
    grid = (BATCH // _BB,)
    full = lambda shape: pl.BlockSpec(shape, lambda i: (0, 0))
    return pl.pallas_call(
        _mlp_body,
        grid=grid,
        in_specs=[
            pl.BlockSpec((_BB, EMB), lambda i: (i, 0)),
            full(W1.shape),
            full(b1.shape),
            full(W2.shape),
            full(b2.shape),
            full(W3.shape),
            full(b3.shape),
        ],
        out_specs=pl.BlockSpec((64, _BB), lambda i: (0, i)),
        out_shape=jax.ShapeDtypeStruct((64, BATCH), jnp.float32),
    )(x, W1, b1, W2, b2, W3, b3)


def kernel(item_idx, table, W1, b1, W2, b2, W3, b3):
    table_rm = _relayout(table.T)
    x = _sc_gather(table_rm, item_idx.astype(jnp.int32))
    outT = _mlp(
        x,
        W1,
        b1.reshape(1, -1),
        W2,
        b2.reshape(1, -1),
        W3,
        b3.reshape(-1, 1),
    )
    return outT.T

# --- scband reference (transcript-rebuilt; emitter-appended) ---
"""Pipeline reference for scband-item-tower-76424648065667 (READ-ONLY COPY).

The authoritative reference and input builder live on the scoring server;
editing this copy changes nothing except your own understanding.
"""

import jax, jax.numpy as jnp
import numpy as np

NUM_ITEMS = 1000000
EMB_DIM = 32
BATCH = 16384

def setup_inputs(seed: int = 0) -> dict:
    key = jax.random.key(seed)
    k_idx, k_tab, k1, k2, k3, kb1, kb2, kb3 = jax.random.split(key, 8)
    item_idx = jax.random.randint(k_idx, (BATCH,), 0, NUM_ITEMS, dtype=jnp.int64) if jax.config.jax_enable_x64 else jax.random.randint(k_idx, (BATCH,), 0, NUM_ITEMS, dtype=jnp.int32)
    table = jax.random.normal(k_tab, (NUM_ITEMS, EMB_DIM), dtype=jnp.float32)
    W1 = jax.random.normal(k1, (EMB_DIM, 128), dtype=jnp.float32) * (1.0 / np.sqrt(EMB_DIM))
    b1 = jax.random.normal(kb1, (128,), dtype=jnp.float32) * 0.01
    W2 = jax.random.normal(k2, (128, 64), dtype=jnp.float32) * (1.0 / np.sqrt(128))
    b2 = jax.random.normal(kb2, (64,), dtype=jnp.float32) * 0.01
    W3 = jax.random.normal(k3, (64, 64), dtype=jnp.float32) * (1.0 / np.sqrt(64))
    b3 = jax.random.normal(kb3, (64,), dtype=jnp.float32) * 0.01
    return {"item_idx": item_idx, "table": table, "W1": W1, "b1": b1, "W2": W2, "b2": b2, "W3": W3, "b3": b3}

def reference(item_idx, table, W1, b1, W2, b2, W3, b3):
    # Embedding lookup (SparseCore-friendly gather)
    x = jnp.take(table, item_idx, axis=0)
    # MLP head (dropout is identity in eval mode)
    h = jax.nn.relu(x @ W1 + b1)
    h = jax.nn.relu(h @ W2 + b2)
    out = h @ W3 + b3
    return out

if __name__ == "__main__":
    import jax
    _d = setup_inputs()
    print(jax.jit(kernel)(*tuple(_d.values())))

</pallas_src>

<mosaic_0001>
#map = affine_map<(d0, d1) -> (0, 0)>
#map1 = affine_map<(d0, d1) -> (0)>
module attributes {stable_mosaic.version = 14 : i64} {
  func.func @_gather_body(%arg0: i32, %arg1: i32, %arg2: memref<1007616x32xf32, #tpu.memory_space<hbm>>, %arg3: memref<16384xi32, #tpu.memory_space<hbm>>, %arg4: memref<16384x32xf32, #tpu.memory_space<hbm>>, %arg5: memref<512xi32, #tpu.memory_space<vmem>>, %arg6: memref<512x32xf32, #tpu.memory_space<vmem>>, %arg7: memref<!tpu.dma_semaphore, #tpu.memory_space<semaphore_mem>>) attributes {dimension_semantics = [#tpu.dimension_semantics<core_parallel>, #tpu.dimension_semantics<subcore_parallel>], iteration_bounds = array<i64: 2, 16>, scalar_prefetch = 0 : i64, scratch_operands = 3 : i64, tpu.core_type = #tpu.core_type<sc_vector_subcore>, window_params = [{transform_indices = #map}, {transform_indices = #map1}, {transform_indices = #map}]} {
    %mul3A = arith.constant 2 : i32
    %mul3A_0 = arith.muli %arg1, %mul3A : i32
    %add3A = arith.addi %mul3A_0, %arg0 : i32
    %mul3A_1 = arith.constant 512 : i32
    %mul3A_2 = arith.muli %add3A, %mul3A_1 : i32
    "tpu.region"() ({
      %run_scoped3A = tpu.sem_alloc : memref<!tpu.dma_semaphore, #tpu.memory_space<semaphore_mem>>
      %dma_start3A = tpu.memref_slice %arg3[%mul3A_2] : memref<16384xi32, #tpu.memory_space<hbm>> -> memref<512xi32, #tpu.memory_space<hbm>>
      %dma_start3A_13 = tpu.memref_slice %arg3[%mul3A_2] : memref<16384xi32, #tpu.memory_space<hbm>> -> memref<512xi32, #tpu.memory_space<hbm>>
      tpu.enqueue_dma source(%dma_start3A_13 : memref<512xi32, #tpu.memory_space<hbm>>) target(%arg5 : memref<512xi32, #tpu.memory_space<vmem>>) target_semaphore(%run_scoped3A : memref<!tpu.dma_semaphore, #tpu.memory_space<semaphore_mem>>)
      %dma_wait3A_14 = tpu.memref_slice %arg3[%mul3A_2] : memref<16384xi32, #tpu.memory_space<hbm>> -> memref<512xi32, #tpu.memory_space<hbm>>
      %dma_wait3A_15 = tpu.memref_slice %arg3[%mul3A_2] : memref<16384xi32, #tpu.memory_space<hbm>> -> memref<512xi32, #tpu.memory_space<hbm>>
      tpu.wait_dma2 semaphore(%run_scoped3A : memref<!tpu.dma_semaphore, #tpu.memory_space<semaphore_mem>>) src(%dma_wait3A_15 : memref<512xi32, #tpu.memory_space<hbm>>) dst(%arg5 : memref<512xi32, #tpu.memory_space<vmem>>)
      tpu.yield
    }) : () -> ()
    %scan3A = arith.constant 0 : i32
    %scan3A_3 = arith.constant 0 : i32
    %scan3A_4 = arith.constant 32 : i32
    %scan3A_5 = arith.addi %scan3A_3, %scan3A_4 : i32
    %scan3A_6 = arith.constant 1 : i32
    scf.for %scan3A_13 = %scan3A_3 to %scan3A_5 step %scan3A_6  : i32 {
      %mul3A_14 = arith.constant 16 : i32
      %mul3A_15 = arith.muli %scan3A_13, %mul3A_14 : i32
      %get3A = arith.index_cast %mul3A_15 : i32 to index
      %get3A_16 = tpu.vector_load %arg5[%get3A] {strides = array<i32>} : memref<512xi32, #tpu.memory_space<vmem>>, vector<16xi32>,
      %get3A_17 = vector.shape_cast %get3A_16 : vector<16xi32> to vector<16xi32>
      %slice3A = vector.extract_strided_slice %get3A_17 {offsets = [0], sizes = [1], strides = [1]} : vector<16xi32> to vector<1xi32>
      %squeeze3A = vector.extract %slice3A[0] : i32 from vector<1xi32>
      %mul3A_18 = arith.constant 16 : i32
      %mul3A_19 = arith.muli %scan3A_13, %mul3A_18 : i32
      %add3A_20 = arith.constant 0 : i32
      %add3A_21 = arith.addi %mul3A_19, %add3A_20 : i32
      %dma_start3A = arith.constant 0 : i32
      %dma_start3A_22 = tpu.memref_slice %arg6[%add3A_21, %dma_start3A] : memref<512x32xf32, #tpu.memory_space<vmem>> -> memref<1x32xf32, #tpu.memory_space<vmem>>
      %dma_start3A_23 = arith.constant 0 : i32
      %dma_start3A_24 = tpu.memref_slice %arg2[%squeeze3A, %dma_start3A_23] : memref<1007616x32xf32, #tpu.memory_space<hbm>> -> memref<1x32xf32, #tpu.memory_space<hbm>>
      %dma_start3A_25 = arith.constant 0 : i32
      %dma_start3A_26 = tpu.memref_slice %arg6[%add3A_21, %dma_start3A_25] : memref<512x32xf32, #tpu.memory_space<vmem>> -> memref<1x32xf32, #tpu.memory_space<vmem>>
      %dma_start3A_27 = arith.constant 0 : i32
      %dma_start3A_28 = tpu.memref_slice %arg2[%squeeze3A, %dma_start3A_27] : memref<1007616x32xf32, #tpu.memory_space<hbm>> -> memref<1x32xf32, #tpu.memory_space<hbm>>
      tpu.enqueue_dma source(%dma_start3A_28 : memref<1x32xf32, #tpu.memory_space<hbm>>) target(%dma_start3A_26 : memref<1x32xf32, #tpu.memory_space<vmem>>) target_semaphore(%arg7 : memref<!tpu.dma_semaphore, #tpu.memory_space<semaphore_mem>>)
      %slice3A_29 = vector.extract_strided_slice %get3A_17 {offsets = [1], sizes = [1], strides = [1]} : vector<16xi32> to vector<1xi32>
      %squeeze3A_30 = vector.extract %slice3A_29[0] : i32 from vector<1xi32>
      %mul3A_31 = arith.constant 16 : i32
      %mul3A_32 = arith.muli %scan3A_13, %mul3A_31 : i32
      %add3A_33 = arith.constant 1 : i32
      %add3A_34 = arith.addi %mul3A_32, %add3A_33 : i32
      %dma_start3A_35 = arith.constant 0 : i32
      %dma_start3A_36 = tpu.memref_slice %arg6[%add3A_34, %dma_start3A_35] : memref<512x32xf32, #tpu.memory_space<vmem>> -> memref<1x32xf32, #tpu.memory_space<vmem>>
      %dma_start3A_37 = arith.constant 0 : i32
      %dma_start3A_38 = tpu.memref_slice %arg2[%squeeze3A_30, %dma_start3A_37] : memref<1007616x32xf32, #tpu.memory_space<hbm>> -> memref<1x32xf32, #tpu.memory_space<hbm>>
      %dma_start3A_39 = arith.constant 0 : i32
      %dma_start3A_40 = tpu.memref_slice %arg6[%add3A_34, %dma_start3A_39] : memref<512x32xf32, #tpu.memory_space<vmem>> -> memref<1x32xf32, #tpu.memory_space<vmem>>
      %dma_start3A_41 = arith.constant 0 : i32
      %dma_start3A_42 = tpu.memref_slice %arg2[%squeeze3A_30, %dma_start3A_41] : memref<1007616x32xf32, #tpu.memory_space<hbm>> -> memref<1x32xf32, #tpu.memory_space<hbm>>
      tpu.enqueue_dma source(%dma_start3A_42 : memref<1x32xf32, #tpu.memory_space<hbm>>) target(%dma_start3A_40 : memref<1x32xf32, #tpu.memory_space<vmem>>) target_semaphore(%arg7 : memref<!tpu.dma_semaphore, #tpu.memory_space<semaphore_mem>>)
      %slice3A_43 = vector.extract_strided_slice %get3A_17 {offsets = [2], sizes = [1], strides = [1]} : vector<16xi32> to vector<1xi32>
      %squeeze3A_44 = vector.extract %slice3A_43[0] : i32 from vector<1xi32>
      %mul3A_45 = arith.constant 16 : i32
      %mul3A_46 = arith.muli %scan3A_13, %mul3A_45 : i32
      %add3A_47 = arith.constant 2 : i32
      %add3A_48 = arith.addi %mul3A_46, %add3A_47 : i32
      %dma_start3A_49 = arith.constant 0 : i32
      %dma_start3A_50 = tpu.memref_slice %arg6[%add3A_48, %dma_start3A_49] : memref<512x32xf32, #tpu.memory_space<vmem>> -> memref<1x32xf32, #tpu.memory_space<vmem>>
      %dma_start3A_51 = arith.constant 0 : i32
      %dma_start3A_52 = tpu.memref_slice %arg2[%squeeze3A_44, %dma_start3A_51] : memref<1007616x32xf32, #tpu.memory_space<hbm>> -> memref<1x32xf32, #tpu.memory_space<hbm>>
      %dma_start3A_53 = arith.constant 0 : i32
      %dma_start3A_54 = tpu.memref_slice %arg6[%add3A_48, %dma_start3A_53] : memref<512x32xf32, #tpu.memory_space<vmem>> -> memref<1x32xf32, #tpu.memory_space<vmem>>
      %dma_start3A_55 = arith.constant 0 : i32
      %dma_start3A_56 = tpu.memref_slice %arg2[%squeeze3A_44, %dma_start3A_55] : memref<1007616x32xf32, #tpu.memory_space<hbm>> -> memref<1x32xf32, #tpu.memory_space<hbm>>
      tpu.enqueue_dma source(%dma_start3A_56 : memref<1x32xf32, #tpu.memory_space<hbm>>) target(%dma_start3A_54 : memref<1x32xf32, #tpu.memory_space<vmem>>) target_semaphore(%arg7 : memref<!tpu.dma_semaphore, #tpu.memory_space<semaphore_mem>>)
      %slice3A_57 = vector.extract_strided_slice %get3A_17 {offsets = [3], sizes = [1], strides = [1]} : vector<16xi32> to vector<1xi32>
      %squeeze3A_58 = vector.extract %slice3A_57[0] : i32 from vector<1xi32>
      %mul3A_59 = arith.constant 16 : i32
      %mul3A_60 = arith.muli %scan3A_13, %mul3A_59 : i32
      %add3A_61 = arith.constant 3 : i32
      %add3A_62 = arith.addi %mul3A_60, %add3A_61 : i32
      %dma_start3A_63 = arith.constant 0 : i32
      %dma_start3A_64 = tpu.memref_slice %arg6[%add3A_62, %dma_start3A_63] : memref<512x32xf32, #tpu.memory_space<vmem>> -> memref<1x32xf32, #tpu.memory_space<vmem>>
      %dma_start3A_65 = arith.constant 0 : i32
      %dma_start3A_66 = tpu.memref_slice %arg2[%squeeze3A_58, %dma_start3A_65] : memref<1007616x32xf32, #tpu.memory_space<hbm>> -> memref<1x32xf32, #tpu.memory_space<hbm>>
      %dma_start3A_67 = arith.constant 0 : i32
      %dma_start3A_68 = tpu.memref_slice %arg6[%add3A_62, %dma_start3A_67] : memref<512x32xf32, #tpu.memory_space<vmem>> -> memref<1x32xf32, #tpu.memory_space<vmem>>
      %dma_start3A_69 = arith.constant 0 : i32
      %dma_start3A_70 = tpu.memref_slice %arg2[%squeeze3A_58, %dma_start3A_69] : memref<1007616x32xf32, #tpu.memory_space<hbm>> -> memref<1x32xf32, #tpu.memory_space<hbm>>
      tpu.enqueue_dma source(%dma_start3A_70 : memref<1x32xf32, #tpu.memory_space<hbm>>) target(%dma_start3A_68 : memref<1x32xf32, #tpu.memory_space<vmem>>) target_semaphore(%arg7 : memref<!tpu.dma_semaphore, #tpu.memory_space<semaphore_mem>>)
      %slice3A_71 = vector.extract_strided_slice %get3A_17 {offsets = [4], sizes = [1], strides = [1]} : vector<16xi32> to vector<1xi32>
      %squeeze3A_72 = vector.extract %slice3A_71[0] : i32 from vector<1xi32>
      %mul3A_73 = arith.constant 16 : i32
      %mul3A_74 = arith.muli %scan3A_13, %mul3A_73 : i32
      %add3A_75 = arith.constant 4 : i32
      %add3A_76 = arith.addi %mul3A_74, %add3A_75 : i32
      %dma_start3A_77 = arith.constant 0 : i32
      %dma_start3A_78 = tpu.memref_slice %arg6[%add3A_76, %dma_start3A_77] : memref<512x32xf32, #tpu.memory_space<vmem>> -> memref<1x32xf32, #tpu.memory_space<vmem>>
      %dma_start3A_79 = arith.constant 0 : i32
      %dma_start3A_80 = tpu.memref_slice %arg2[%squeeze3A_72, %dma_start3A_79] : memref<1007616x32xf32, #tpu.memory_space<hbm>> -> memref<1x32xf32, #tpu.memory_space<hbm>>
      %dma_start3A_81 = arith.constant 0 : i32
      %dma_start3A_82 = tpu.memref_slice %arg6[%add3A_76, %dma_start3A_81] : memref<512x32xf32, #tpu.memory_space<vmem>> -> memref<1x32xf32, #tpu.memory_space<vmem>>
      %dma_start3A_83 = arith.constant 0 : i32
      %dma_start3A_84 = tpu.memref_slice %arg2[%squeeze3A_72, %dma_start3A_83] : memref<1007616x32xf32, #tpu.memory_space<hbm>> -> memref<1x32xf32, #tpu.memory_space<hbm>>
      tpu.enqueue_dma source(%dma_start3A_84 : memref<1x32xf32, #tpu.memory_space<hbm>>) target(%dma_start3A_82 : memref<1x32xf32, #tpu.memory_space<vmem>>) target_semaphore(%arg7 : memref<!tpu.dma_semaphore, #tpu.memory_space<semaphore_mem>>)
      %slice3A_85 = vector.extract_strided_slice %get3A_17 {offsets = [5], sizes = [1], strides = [1]} : vector<16xi32> to vector<1xi32>
      %squeeze3A_86 = vector.extract %slice3A_85[0] : i32 from vector<1xi32>
      %mul3A_87 = arith.constant 16 : i32
      %mul3A_88 = arith.muli %scan3A_13, %mul3A_87 : i32
      %add3A_89 = arith.constant 5 : i32
      %add3A_90 = arith.addi %mul3A_88, %add3A_89 : i32
      %dma_start3A_91 = arith.constant 0 : i32
      %dma_start3A_92 = tpu.memref_slice %arg6[%add3A_90, %dma_start3A_91] : memref<512x32xf32, #tpu.memory_space<vmem>> -> memref<1x32xf32, #tpu.memory_space<vmem>>
      %dma_start3A_93 = arith.constant 0 : i32
      %dma_start3A_94 = tpu.memref_slice %arg2[%squeeze3A_86, %dma_start3A_93] : memref<1007616x32xf32, #tpu.memory_space<hbm>> -> memref<1x32xf32, #tpu.memory_space<hbm>>
      %dma_start3A_95 = arith.constant 0 : i32
      %dma_start3A_96 = tpu.memref_slice %arg6[%add3A_90, %dma_start3A_95] : memref<512x32xf32, #tpu.memory_space<vmem>> -> memref<1x32xf32, #tpu.memory_space<vmem>>
      %dma_start3A_97 = arith.constant 0 : i32
      %dma_start3A_98 = tpu.memref_slice %arg2[%squeeze3A_86, %dma_start3A_97] : memref<1007616x32xf32, #tpu.memory_space<hbm>> -> memref<1x32xf32, #tpu.memory_space<hbm>>
      tpu.enqueue_dma source(%dma_start3A_98 : memref<1x32xf32, #tpu.memory_space<hbm>>) target(%dma_start3A_96 : memref<1x32xf32, #tpu.memory_space<vmem>>) target_semaphore(%arg7 : memref<!tpu.dma_semaphore, #tpu.memory_space<semaphore_mem>>)
      %slice3A_99 = vector.extract_strided_slice %get3A_17 {offsets = [6], sizes = [1], strides = [1]} : vector<16xi32> to vector<1xi32>
      %squeeze3A_100 = vector.extract %slice3A_99[0] : i32 from vector<1xi32>
      %mul3A_101 = arith.constant 16 : i32
      %mul3A_102 = arith.muli %scan3A_13, %mul3A_101 : i32
      %add3A_103 = arith.constant 6 : i32
      %add3A_104 = arith.addi %mul3A_102, %add3A_103 : i32
      %dma_start3A_105 = arith.constant 0 : i32
      %dma_start3A_106 = tpu.memref_slice %arg6[%add3A_104, %dma_start3A_105] : memref<512x32xf32, #tpu.memory_space<vmem>> -> memref<1x32xf32, #tpu.memory_space<vmem>>
      %dma_start3A_107 = arith.constant 0 : i32
      %dma_start3A_108 = tpu.memref_slice %arg2[%squeeze3A_100, %dma_start3A_107] : memref<1007616x32xf32, #tpu.memory_space<hbm>> -> memref<1x32xf32, #tpu.memory_space<hbm>>
      %dma_start3A_109 = arith.constant 0 : i32
      %dma_start3A_110 = tpu.memref_slice %arg6[%add3A_104, %dma_start3A_109] : memref<512x32xf32, #tpu.memory_space<vmem>> -> memref<1x32xf32, #tpu.memory_space<vmem>>
      %dma_start3A_111 = arith.constant 0 : i32
      %dma_start3A_112 = tpu.memref_slice %arg2[%squeeze3A_100, %dma_start3A_111] : memref<1007616x32xf32, #tpu.memory_space<hbm>> -> memref<1x32xf32, #tpu.memory_space<hbm>>
      tpu.enqueue_dma source(%dma_start3A_112 : memref<1x32xf32, #tpu.memory_space<hbm>>) target(%dma_start3A_110 : memref<1x32xf32, #tpu.memory_space<vmem>>) target_semaphore(%arg7 : memref<!tpu.dma_semaphore, #tpu.memory_space<semaphore_mem>>)
      %slice3A_113 = vector.extract_strided_slice %get3A_17 {offsets = [7], sizes = [1], strides = [1]} : vector<16xi32> to vector<1xi32>
      %squeeze3A_114 = vector.extract %slice3A_113[0] : i32 from vector<1xi32>
      %mul3A_115 = arith.constant 16 : i32
      %mul3A_116 = arith.muli %scan3A_13, %mul3A_115 : i32
      %add3A_117 = arith.constant 7 : i32
      %add3A_118 = arith.addi %mul3A_116, %add3A_117 : i32
      %dma_start3A_119 = arith.constant 0 : i32
      %dma_start3A_120 = tpu.memref_slice %arg6[%add3A_118, %dma_start3A_119] : memref<512x32xf32, #tpu.memory_space<vmem>> -> memref<1x32xf32, #tpu.memory_space<vmem>>
      %dma_start3A_121 = arith.constant 0 : i32
      %dma_start3A_122 = tpu.memref_slice %arg2[%squeeze3A_114, %dma_start3A_121] : memref<1007616x32xf32, #tpu.memory_space<hbm>> -> memref<1x32xf32, #tpu.memory_space<hbm>>
      %dma_start3A_123 = arith.constant 0 : i32
      %dma_start3A_124 = tpu.memref_slice %arg6[%add3A_118, %dma_start3A_123] : memref<512x32xf32, #tpu.memory_space<vmem>> -> memref<1x32xf32, #tpu.memory_space<vmem>>
      %dma_start3A_125 = arith.constant 0 : i32
      %dma_start3A_126 = tpu.memref_slice %arg2[%squeeze3A_114, %dma_start3A_125] : memref<1007616x32xf32, #tpu.memory_space<hbm>> -> memref<1x32xf32, #tpu.memory_space<hbm>>
      tpu.enqueue_dma source(%dma_start3A_126 : memref<1x32xf32, #tpu.memory_space<hbm>>) target(%dma_start3A_124 : memref<1x32xf32, #tpu.memory_space<vmem>>) target_semaphore(%arg7 : memref<!tpu.dma_semaphore, #tpu.memory_space<semaphore_mem>>)
      %slice3A_127 = vector.extract_strided_slice %get3A_17 {offsets = [8], sizes = [1], strides = [1]} : vector<16xi32> to vector<1xi32>
      %squeeze3A_128 = vector.extract %slice3A_127[0] : i32 from vector<1xi32>
      %mul3A_129 = arith.constant 16 : i32
      %mul3A_130 = arith.muli %scan3A_13, %mul3A_129 : i32
      %add3A_131 = arith.constant 8 : i32
      %add3A_132 = arith.addi %mul3A_130, %add3A_131 : i32
      %dma_start3A_133 = arith.constant 0 : i32
      %dma_start3A_134 = tpu.memref_slice %arg6[%add3A_132, %dma_start3A_133] : memref<512x32xf32, #tpu.memory_space<vmem>> -> memref<1x32xf32, #tpu.memory_space<vmem>>
      %dma_start3A_135 = arith.constant 0 : i32
      %dma_start3A_136 = tpu.memref_slice %arg2[%squeeze3A_128, %dma_start3A_135] : memref<1007616x32xf32, #tpu.memory_space<hbm>> -> memref<1x32xf32, #tpu.memory_space<hbm>>
      %dma_start3A_137 = arith.constant 0 : i32
      %dma_start3A_138 = tpu.memref_slice %arg6[%add3A_132, %dma_start3A_137] : memref<512x32xf32, #tpu.memory_space<vmem>> -> memref<1x32xf32, #tpu.memory_space<vmem>>
      %dma_start3A_139 = arith.constant 0 : i32
      %dma_start3A_140 = tpu.memref_slice %arg2[%squeeze3A_128, %dma_start3A_139] : memref<1007616x32xf32, #tpu.memory_space<hbm>> -> memref<1x32xf32, #tpu.memory_space<hbm>>
      tpu.enqueue_dma source(%dma_start3A_140 : memref<1x32xf32, #tpu.memory_space<hbm>>) target(%dma_start3A_138 : memref<1x32xf32, #tpu.memory_space<vmem>>) target_semaphore(%arg7 : memref<!tpu.dma_semaphore, #tpu.memory_space<semaphore_mem>>)
      %slice3A_141 = vector.extract_strided_slice %get3A_17 {offsets = [9], sizes = [1], strides = [1]} : vector<16xi32> to vector<1xi32>
      %squeeze3A_142 = vector.extract %slice3A_141[0] : i32 from vector<1xi32>
      %mul3A_143 = arith.constant 16 : i32
      %mul3A_144 = arith.muli %scan3A_13, %mul3A_143 : i32
      %add3A_145 = arith.constant 9 : i32
      %add3A_146 = arith.addi %mul3A_144, %add3A_145 : i32
      %dma_start3A_147 = arith.constant 0 : i32
      %dma_start3A_148 = tpu.memref_slice %arg6[%add3A_146, %dma_start3A_147] : memref<512x32xf32, #tpu.memory_space<vmem>> -> memref<1x32xf32, #tpu.memory_space<vmem>>
      %dma_start3A_149 = arith.constant 0 : i32
      %dma_start3A_150 = tpu.memref_slice %arg2[%squeeze3A_142, %dma_start3A_149] : memref<1007616x32xf32, #tpu.memory_space<hbm>> -> memref<1x32xf32, #tpu.memory_space<hbm>>
      %dma_start3A_151 = arith.constant 0 : i32
      %dma_start3A_152 = tpu.memref_slice %arg6[%add3A_146, %dma_start3A_151] : memref<512x32xf32, #tpu.memory_space<vmem>> -> memref<1x32xf32, #tpu.memory_space<vmem>>
      %dma_start3A_153 = arith.constant 0 : i32
      %dma_start3A_154 = tpu.memref_slice %arg2[%squeeze3A_142, %dma_start3A_153] : memref<1007616x32xf32, #tpu.memory_space<hbm>> -> memref<1x32xf32, #tpu.memory_space<hbm>>
      tpu.enqueue_dma source(%dma_start3A_154 : memref<1x32xf32, #tpu.memory_space<hbm>>) target(%dma_start3A_152 : memref<1x32xf32, #tpu.memory_space<vmem>>) target_semaphore(%arg7 : memref<!tpu.dma_semaphore, #tpu.memory_space<semaphore_mem>>)
      %slice3A_155 = vector.extract_strided_slice %get3A_17 {offsets = [10], sizes = [1], strides = [1]} : vector<16xi32> to vector<1xi32>
      %squeeze3A_156 = vector.extract %slice3A_155[0] : i32 from vector<1xi32>
      %mul3A_157 = arith.constant 16 : i32
      %mul3A_158 = arith.muli %scan3A_13, %mul3A_157 : i32
      %add3A_159 = arith.constant 10 : i32
      %add3A_160 = arith.addi %mul3A_158, %add3A_159 : i32
      %dma_start3A_161 = arith.constant 0 : i32
      %dma_start3A_162 = tpu.memref_slice %arg6[%add3A_160, %dma_start3A_161] : memref<512x32xf32, #tpu.memory_space<vmem>> -> memref<1x32xf32, #tpu.memory_space<vmem>>
      %dma_start3A_163 = arith.constant 0 : i32
      %dma_start3A_164 = tpu.memref_slice %arg2[%squeeze3A_156, %dma_start3A_163] : memref<1007616x32xf32, #tpu.memory_space<hbm>> -> memref<1x32xf32, #tpu.memory_space<hbm>>
      %dma_start3A_165 = arith.constant 0 : i32
      %dma_start3A_166 = tpu.memref_slice %arg6[%add3A_160, %dma_start3A_165] : memref<512x32xf32, #tpu.memory_space<vmem>> -> memref<1x32xf32, #tpu.memory_space<vmem>>
      %dma_start3A_167 = arith.constant 0 : i32
      %dma_start3A_168 = tpu.memref_slice %arg2[%squeeze3A_156, %dma_start3A_167] : memref<1007616x32xf32, #tpu.memory_space<hbm>> -> memref<1x32xf32, #tpu.memory_space<hbm>>
      tpu.enqueue_dma source(%dma_start3A_168 : memref<1x32xf32, #tpu.memory_space<hbm>>) target(%dma_start3A_166 : memref<1x32xf32, #tpu.memory_space<vmem>>) target_semaphore(%arg7 : memref<!tpu.dma_semaphore, #tpu.memory_space<semaphore_mem>>)
      %slice3A_169 = vector.extract_strided_slice %get3A_17 {offsets = [11], sizes = [1], strides = [1]} : vector<16xi32> to vector<1xi32>
      %squeeze3A_170 = vector.extract %slice3A_169[0] : i32 from vector<1xi32>
      %mul3A_171 = arith.constant 16 : i32
      %mul3A_172 = arith.muli %scan3A_13, %mul3A_171 : i32
      %add3A_173 = arith.constant 11 : i32
      %add3A_174 = arith.addi %mul3A_172, %add3A_173 : i32
      %dma_start3A_175 = arith.constant 0 : i32
      %dma_start3A_176 = tpu.memref_slice %arg6[%add3A_174, %dma_start3A_175] : memref<512x32xf32, #tpu.memory_space<vmem>> -> memref<1x32xf32, #tpu.memory_space<vmem>>
      %dma_start3A_177 = arith.constant 0 : i32
      %dma_start3A_178 = tpu.memref_slice %arg2[%squeeze3A_170, %dma_start3A_177] : memref<1007616x32xf32, #tpu.memory_space<hbm>> -> memref<1x32xf32, #tpu.memory_space<hbm>>
      %dma_start3A_179 = arith.constant 0 : i32
      %dma_start3A_180 = tpu.memref_slice %arg6[%add3A_174, %dma_start3A_179] : memref<512x32xf32, #tpu.memory_space<vmem>> -> memref<1x32xf32, #tpu.memory_space<vmem>>
      %dma_start3A_181 = arith.constant 0 : i32
      %dma_start3A_182 = tpu.memref_slice %arg2[%squeeze3A_170, %dma_start3A_181] : memref<1007616x32xf32, #tpu.memory_space<hbm>> -> memref<1x32xf32, #tpu.memory_space<hbm>>
      tpu.enqueue_dma source(%dma_start3A_182 : memref<1x32xf32, #tpu.memory_space<hbm>>) target(%dma_start3A_180 : memref<1x32xf32, #tpu.memory_space<vmem>>) target_semaphore(%arg7 : memref<!tpu.dma_semaphore, #tpu.memory_space<semaphore_mem>>)
      %slice3A_183 = vector.extract_strided_slice %get3A_17 {offsets = [12], sizes = [1], strides = [1]} : vector<16xi32> to vector<1xi32>
      %squeeze3A_184 = vector.extract %slice3A_183[0] : i32 from vector<1xi32>
      %mul3A_185 = arith.constant 16 : i32
      %mul3A_186 = arith.muli %scan3A_13, %mul3A_185 : i32
      %add3A_187 = arith.constant 12 : i32
      %add3A_188 = arith.addi %mul3A_186, %add3A_187 : i32
      %dma_start3A_189 = arith.constant 0 : i32
      %dma_start3A_190 = tpu.memref_slice %arg6[%add3A_188, %dma_start3A_189] : memref<512x32xf32, #tpu.memory_space<vmem>> -> memref<1x32xf32, #tpu.memory_space<vmem>>
      %dma_start3A_191 = arith.constant 0 : i32
      %dma_start3A_192 = tpu.memref_slice %arg2[%squeeze3A_184, %dma_start3A_191] : memref<1007616x32xf32, #tpu.memory_space<hbm>> -> memref<1x32xf32, #tpu.memory_space<hbm>>
      %dma_start3A_193 = arith.constant 0 : i32
      %dma_start3A_194 = tpu.memref_slice %arg6[%add3A_188, %dma_start3A_193] : memref<512x32xf32, #tpu.memory_space<vmem>> -> memref<1x32xf32, #tpu.memory_space<vmem>>
      %dma_start3A_195 = arith.constant 0 : i32
      %dma_start3A_196 = tpu.memref_slice %arg2[%squeeze3A_184, %dma_start3A_195] : memref<1007616x32xf32, #tpu.memory_space<hbm>> -> memref<1x32xf32, #tpu.memory_space<hbm>>
      tpu.enqueue_dma source(%dma_start3A_196 : memref<1x32xf32, #tpu.memory_space<hbm>>) target(%dma_start3A_194 : memref<1x32xf32, #tpu.memory_space<vmem>>) target_semaphore(%arg7 : memref<!tpu.dma_semaphore, #tpu.memory_space<semaphore_mem>>)
      %slice3A_197 = vector.extract_strided_slice %get3A_17 {offsets = [13], sizes = [1], strides = [1]} : vector<16xi32> to vector<1xi32>
      %squeeze3A_198 = vector.extract %slice3A_197[0] : i32 from vector<1xi32>
      %mul3A_199 = arith.constant 16 : i32
      %mul3A_200 = arith.muli %scan3A_13, %mul3A_199 : i32
      %add3A_201 = arith.constant 13 : i32
      %add3A_202 = arith.addi %mul3A_200, %add3A_201 : i32
      %dma_start3A_203 = arith.constant 0 : i32
      %dma_start3A_204 = tpu.memref_slice %arg6[%add3A_202, %dma_start3A_203] : memref<512x32xf32, #tpu.memory_space<vmem>> -> memref<1x32xf32, #tpu.memory_space<vmem>>
      %dma_start3A_205 = arith.constant 0 : i32
      %dma_start3A_206 = tpu.memref_slice %arg2[%squeeze3A_198, %dma_start3A_205] : memref<1007616x32xf32, #tpu.memory_space<hbm>> -> memref<1x32xf32, #tpu.memory_space<hbm>>
      %dma_start3A_207 = arith.constant 0 : i32
      %dma_start3A_208 = tpu.memref_slice %arg6[%add3A_202, %dma_start3A_207] : memref<512x32xf32, #tpu.memory_space<vmem>> -> memref<1x32xf32, #tpu.memory_space<vmem>>
      %dma_start3A_209 = arith.constant 0 : i32
      %dma_start3A_210 = tpu.memref_slice %arg2[%squeeze3A_198, %dma_start3A_209] : memref<1007616x32xf32, #tpu.memory_space<hbm>> -> memref<1x32xf32, #tpu.memory_space<hbm>>
      tpu.enqueue_dma source(%dma_start3A_210 : memref<1x32xf32, #tpu.memory_space<hbm>>) target(%dma_start3A_208 : memref<1x32xf32, #tpu.memory_space<vmem>>) target_semaphore(%arg7 : memref<!tpu.dma_semaphore, #tpu.memory_space<semaphore_mem>>)
      %slice3A_211 = vector.extract_strided_slice %get3A_17 {offsets = [14], sizes = [1], strides = [1]} : vector<16xi32> to vector<1xi32>
      %squeeze3A_212 = vector.extract %slice3A_211[0] : i32 from vector<1xi32>
      %mul3A_213 = arith.constant 16 : i32
      %mul3A_214 = arith.muli %scan3A_13, %mul3A_213 : i32
      %add3A_215 = arith.constant 14 : i32
      %add3A_216 = arith.addi %mul3A_214, %add3A_215 : i32
      %dma_start3A_217 = arith.constant 0 : i32
      %dma_start3A_218 = tpu.memref_slice %arg6[%add3A_216, %dma_start3A_217] : memref<512x32xf32, #tpu.memory_space<vmem>> -> memref<1x32xf32, #tpu.memory_space<vmem>>
      %dma_start3A_219 = arith.constant 0 : i32
      %dma_start3A_220 = tpu.memref_slice %arg2[%squeeze3A_212, %dma_start3A_219] : memref<1007616x32xf32, #tpu.memory_space<hbm>> -> memref<1x32xf32, #tpu.memory_space<hbm>>
      %dma_start3A_221 = arith.constant 0 : i32
      %dma_start3A_222 = tpu.memref_slice %arg6[%add3A_216, %dma_start3A_221] : memref<512x32xf32, #tpu.memory_space<vmem>> -> memref<1x32xf32, #tpu.memory_space<vmem>>
      %dma_start3A_223 = arith.constant 0 : i32
      %dma_start3A_224 = tpu.memref_slice %arg2[%squeeze3A_212, %dma_start3A_223] : memref<1007616x32xf32, #tpu.memory_space<hbm>> -> memref<1x32xf32, #tpu.memory_space<hbm>>
      tpu.enqueue_dma source(%dma_start3A_224 : memref<1x32xf32, #tpu.memory_space<hbm>>) target(%dma_start3A_222 : memref<1x32xf32, #tpu.memory_space<vmem>>) target_semaphore(%arg7 : memref<!tpu.dma_semaphore, #tpu.memory_space<semaphore_mem>>)
      %slice3A_225 = vector.extract_strided_slice %get3A_17 {offsets = [15], sizes = [1], strides = [1]} : vector<16xi32> to vector<1xi32>
      %squeeze3A_226 = vector.extract %slice3A_225[0] : i32 from vector<1xi32>
      %mul3A_227 = arith.constant 16 : i32
      %mul3A_228 = arith.muli %scan3A_13, %mul3A_227 : i32
      %add3A_229 = arith.constant 15 : i32
      %add3A_230 = arith.addi %mul3A_228, %add3A_229 : i32
      %dma_start3A_231 = arith.constant 0 : i32
      %dma_start3A_232 = tpu.memref_slice %arg6[%add3A_230, %dma_start3A_231] : memref<512x32xf32, #tpu.memory_space<vmem>> -> memref<1x32xf32, #tpu.memory_space<vmem>>
      %dma_start3A_233 = arith.constant 0 : i32
      %dma_start3A_234 = tpu.memref_slice %arg2[%squeeze3A_226, %dma_start3A_233] : memref<1007616x32xf32, #tpu.memory_space<hbm>> -> memref<1x32xf32, #tpu.memory_space<hbm>>
      %dma_start3A_235 = arith.constant 0 : i32
      %dma_start3A_236 = tpu.memref_slice %arg6[%add3A_230, %dma_start3A_235] : memref<512x32xf32, #tpu.memory_space<vmem>> -> memref<1x32xf32, #tpu.memory_space<vmem>>
      %dma_start3A_237 = arith.constant 0 : i32
      %dma_start3A_238 = tpu.memref_slice %arg2[%squeeze3A_226, %dma_start3A_237] : memref<1007616x32xf32, #tpu.memory_space<hbm>> -> memref<1x32xf32, #tpu.memory_space<hbm>>
      tpu.enqueue_dma source(%dma_start3A_238 : memref<1x32xf32, #tpu.memory_space<hbm>>) target(%dma_start3A_236 : memref<1x32xf32, #tpu.memory_space<vmem>>) target_semaphore(%arg7 : memref<!tpu.dma_semaphore, #tpu.memory_space<semaphore_mem>>)
    }
    %scan3A_7 = arith.constant 32 : i32
    %dma_wait3A = arith.constant 0 : i32
    %dma_wait3A_8 = arith.constant 0 : i32
    %dma_wait3A_9 = tpu.memref_slice %arg2[%dma_wait3A, %dma_wait3A_8] : memref<1007616x32xf32, #tpu.memory_space<hbm>> -> memref<512x32xf32, #tpu.memory_space<hbm>>
    %dma_wait3A_10 = arith.constant 0 : i32
    %dma_wait3A_11 = arith.constant 0 : i32
    %dma_wait3A_12 = tpu.memref_slice %arg2[%dma_wait3A_10, %dma_wait3A_11] : memref<1007616x32xf32, #tpu.memory_space<hbm>> -> memref<512x32xf32, #tpu.memory_space<hbm>>
    tpu.wait_dma2 semaphore(%arg7 : memref<!tpu.dma_semaphore, #tpu.memory_space<semaphore_mem>>) src(%dma_wait3A_12 : memref<512x32xf32, #tpu.memory_space<hbm>>) dst(%arg6 : memref<512x32xf32, #tpu.memory_space<vmem>>)
    "tpu.region"() ({
      %run_scoped3A = tpu.sem_alloc : memref<!tpu.dma_semaphore, #tpu.memory_space<semaphore_mem>>
      %dma_start3A = arith.constant 0 : i32
      %dma_start3A_13 = tpu.memref_slice %arg4[%mul3A_2, %dma_start3A] : memref<16384x32xf32, #tpu.memory_space<hbm>> -> memref<512x32xf32, #tpu.memory_space<hbm>>
      %dma_start3A_14 = arith.constant 0 : i32
      %dma_start3A_15 = tpu.memref_slice %arg4[%mul3A_2, %dma_start3A_14] : memref<16384x32xf32, #tpu.memory_space<hbm>> -> memref<512x32xf32, #tpu.memory_space<hbm>>
      tpu.enqueue_dma source(%arg6 : memref<512x32xf32, #tpu.memory_space<vmem>>) target(%dma_start3A_15 : memref<512x32xf32, #tpu.memory_space<hbm>>) target_semaphore(%run_scoped3A : memref<!tpu.dma_semaphore, #tpu.memory_space<semaphore_mem>>)
      %dma_wait3A_16 = arith.constant 0 : i32
      %dma_wait3A_17 = tpu.memref_slice %arg4[%mul3A_2, %dma_wait3A_16] : memref<16384x32xf32, #tpu.memory_space<hbm>> -> memref<512x32xf32, #tpu.memory_space<hbm>>
      %dma_wait3A_18 = arith.constant 0 : i32
      %dma_wait3A_19 = tpu.memref_slice %arg4[%mul3A_2, %dma_wait3A_18] : memref<16384x32xf32, #tpu.memory_space<hbm>> -> memref<512x32xf32, #tpu.memory_space<hbm>>
      tpu.wait_dma2 semaphore(%run_scoped3A : memref<!tpu.dma_semaphore, #tpu.memory_space<semaphore_mem>>) src(%arg6 : memref<512x32xf32, #tpu.memory_space<vmem>>) dst(%dma_wait3A_19 : memref<512x32xf32, #tpu.memory_space<hbm>>)
      tpu.yield
    }) : () -> ()
    return
  }
}

module attributes {stable_mosaic.version = 14 : i64} {
  func.func @_mlp_body(%arg0: i32, %arg1: memref<2048x32xf32, #tpu.memory_space<vmem>>, %arg2: memref<32x128xf32, #tpu.memory_space<vmem>>, %arg3: memref<1x128xf32, #tpu.memory_space<vmem>>, %arg4: memref<128x64xf32, #tpu.memory_space<vmem>>, %arg5: memref<1x64xf32, #tpu.memory_space<vmem>>, %arg6: memref<64x64xf32, #tpu.memory_space<vmem>>, %arg7: memref<64x1xf32, #tpu.memory_space<vmem>>, %arg8: memref<64x2048xf32, #tpu.memory_space<vmem>>) attributes {dimension_semantics = [#tpu.dimension_semantics<arbitrary>], iteration_bounds = array<i64: 8>, scalar_prefetch = 0 : i64, scratch_operands = 0 : i64, tpu.core_type = #tpu.core_type<tc>, window_params = [{transform_indices = @transform_0, window_bounds = array<i64: 2048, 32>}, {pipeline_mode = #tpu.pipeline_mode<synchronous>, transform_indices = @transform_1, window_bounds = array<i64: 32, 128>}, {pipeline_mode = #tpu.pipeline_mode<synchronous>, transform_indices = @transform_2, window_bounds = array<i64: 1, 128>}, {pipeline_mode = #tpu.pipeline_mode<synchronous>, transform_indices = @transform_3, window_bounds = array<i64: 128, 64>}, {pipeline_mode = #tpu.pipeline_mode<synchronous>, transform_indices = @transform_4, window_bounds = array<i64: 1, 64>}, {pipeline_mode = #tpu.pipeline_mode<synchronous>, transform_indices = @transform_5, window_bounds = array<i64: 64, 64>}, {pipeline_mode = #tpu.pipeline_mode<synchronous>, transform_indices = @transform_6, window_bounds = array<i64: 64, 1>}, {transform_indices = @transform_7, window_bounds = array<i64: 64, 2048>}]} {
    %get3A = arith.constant 0 : index
    %get3A_0 = arith.constant 0 : index
    %get3A_1 = vector.load %arg1[%get3A, %get3A_0] : memref<2048x32xf32, #tpu.memory_space<vmem>>, vector<2048x32xf32>
    %get3A_2 = arith.constant 0 : index
    %get3A_3 = arith.constant 0 : index
    %get3A_4 = vector.load %arg2[%get3A_2, %get3A_3] : memref<32x128xf32, #tpu.memory_space<vmem>>, vector<32x128xf32>
    %dot_general3A = arith.constant dense<0.000000e+00> : vector<2048x128xf32>
    %dot_general3A_5 = tpu.matmul %get3A_1, %get3A_4, %dot_general3A {dimension_numbers = #tpu.dot_dimension_numbers<[1], [0], [0], [1], [0, 0, 1, 1], [], []>, transpose_lhs_hint = false} : vector<2048x32xf32>, vector<32x128xf32>, vector<2048x128xf32> -> vector<2048x128xf32>
    %get3A_6 = arith.constant 0 : index
    %get3A_7 = arith.constant 0 : index
    %get3A_8 = vector.load %arg3[%get3A_6, %get3A_7] : memref<1x128xf32, #tpu.memory_space<vmem>>, vector<1x128xf32>
    %add3A = vector.broadcast %get3A_8 : vector<1x128xf32> to vector<2048x128xf32>
    %add3A_9 = arith.addf %dot_general3A_5, %add3A : vector<2048x128xf32>
    %max3A = arith.constant 0.000000e+00 : f32
    %max3A_10 = vector.broadcast %max3A : f32 to vector<2048x128xf32>
    %max3A_11 = arith.maximumf %add3A_9, %max3A_10 : vector<2048x128xf32>
    %get3A_12 = arith.constant 0 : index
    %get3A_13 = arith.constant 0 : index
    %get3A_14 = vector.load %arg4[%get3A_12, %get3A_13] : memref<128x64xf32, #tpu.memory_space<vmem>>, vector<128x64xf32>
    %dot_general3A_15 = arith.constant dense<0.000000e+00> : vector<2048x64xf32>
    %dot_general3A_16 = tpu.matmul %max3A_11, %get3A_14, %dot_general3A_15 {dimension_numbers = #tpu.dot_dimension_numbers<[1], [0], [0], [1], [0, 0, 1, 1], [], []>, transpose_lhs_hint = false} : vector<2048x128xf32>, vector<128x64xf32>, vector<2048x64xf32> -> vector<2048x64xf32>
    %get3A_17 = arith.constant 0 : index
    %get3A_18 = arith.constant 0 : index
    %get3A_19 = vector.load %arg5[%get3A_17, %get3A_18] : memref<1x64xf32, #tpu.memory_space<vmem>>, vector<1x64xf32>
    %add3A_20 = vector.broadcast %get3A_19 : vector<1x64xf32> to vector<2048x64xf32>
    %add3A_21 = arith.addf %dot_general3A_16, %add3A_20 : vector<2048x64xf32>
    %max3A_22 = arith.constant 0.000000e+00 : f32
    %max3A_23 = vector.broadcast %max3A_22 : f32 to vector<2048x64xf32>
    %max3A_24 = arith.maximumf %add3A_21, %max3A_23 : vector<2048x64xf32>
    %get3A_25 = arith.constant 0 : index
    %get3A_26 = arith.constant 0 : index
    %get3A_27 = vector.load %arg6[%get3A_25, %get3A_26] : memref<64x64xf32, #tpu.memory_space<vmem>>, vector<64x64xf32>
    %dot_general3A_28 = arith.constant dense<0.000000e+00> : vector<64x2048xf32>
    %dot_general3A_29 = tpu.matmul %get3A_27, %max3A_24, %dot_general3A_28 {dimension_numbers = #tpu.dot_dimension_numbers<[0], [1], [1], [0], [0, 1, 1, 0], [], []>, transpose_lhs_hint = false} : vector<64x64xf32>, vector<2048x64xf32>, vector<64x2048xf32> -> vector<64x2048xf32>
    %get3A_30 = arith.constant 0 : index
    %get3A_31 = arith.constant 0 : index
    %get3A_32 = vector.load %arg7[%get3A_30, %get3A_31] : memref<64x1xf32, #tpu.memory_space<vmem>>, vector<64x1xf32>
    %add3A_33 = vector.broadcast %get3A_32 : vector<64x1xf32> to vector<64x2048xf32>
    %add3A_34 = arith.addf %dot_general3A_29, %add3A_33 : vector<64x2048xf32>
    %swap3A = arith.constant 0 : index
    %swap3A_35 = arith.constant 0 : index
    %swap3A_36 = vector.load %arg8[%swap3A, %swap3A_35] : memref<64x2048xf32, #tpu.memory_space<vmem>>, vector<64x2048xf32>
    tpu.vector_store %arg8[%swap3A, %swap3A_35], %add3A_34 {strides = array<i32>} : memref<64x2048xf32, #tpu.memory_space<vmem>>, vector<64x2048xf32>,
    return
  }
  func.func @transform_0(%arg0: i32) -> (i32, i32) {
    %c0_i32 = arith.constant 0 : i32
    %c0_i32_0 = arith.constant 0 : i32
    return %arg0, %c0_i32 : i32, i32
  }
  func.func @transform_1(%arg0: i32) -> (i32, i32) {
    %c0_i32 = arith.constant 0 : i32
    %c0_i32_0 = arith.constant 0 : i32
    %c0_i32_1 = arith.constant 0 : i32
    return %c0_i32, %c0_i32_0 : i32, i32
  }
  func.func @transform_2(%arg0: i32) -> (i32, i32) {
    %c0_i32 = arith.constant 0 : i32
    %c0_i32_0 = arith.constant 0 : i32
    %c0_i32_1 = arith.constant 0 : i32
    return %c0_i32, %c0_i32_0 : i32, i32
  }
  func.func @transform_3(%arg0: i32) -> (i32, i32) {
    %c0_i32 = arith.constant 0 : i32
    %c0_i32_0 = arith.constant 0 : i32
    %c0_i32_1 = arith.constant 0 : i32
    return %c0_i32, %c0_i32_0 : i32, i32
  }
  func.func @transform_4(%arg0: i32) -> (i32, i32) {
    %c0_i32 = arith.constant 0 : i32
    %c0_i32_0 = arith.constant 0 : i32
    %c0_i32_1 = arith.constant 0 : i32
    return %c0_i32, %c0_i32_0 : i32, i32
  }
  func.func @transform_5(%arg0: i32) -> (i32, i32) {
    %c0_i32 = arith.constant 0 : i32
    %c0_i32_0 = arith.constant 0 : i32
    %c0_i32_1 = arith.constant 0 : i32
    return %c0_i32, %c0_i32_0 : i32, i32
  }
  func.func @transform_6(%arg0: i32) -> (i32, i32) {
    %c0_i32 = arith.constant 0 : i32
    %c0_i32_0 = arith.constant 0 : i32
    %c0_i32_1 = arith.constant 0 : i32
    return %c0_i32, %c0_i32_0 : i32, i32
  }
  func.func @transform_7(%arg0: i32) -> (i32, i32) {
    %c0_i32 = arith.constant 0 : i32
    %c0_i32_0 = arith.constant 0 : i32
    return %c0_i32, %arg0 : i32, i32
  }
}

module attributes {stable_mosaic.version = 14 : i64} {
  func.func @_tr_body(%arg0: i32, %arg1: memref<32x1000000xf32, #tpu.memory_space<any>>, %arg2: memref<32x576xf32, #tpu.memory_space<vmem>>, %arg3: memref<1007616x32xf32, #tpu.memory_space<any>>, %arg4: memref<2x32x8192xf32, #tpu.memory_space<vmem>>, %arg5: memref<2x8192x32xf32, #tpu.memory_space<vmem>>, %arg6: memref<2x8x!tpu.dma_semaphore, #tpu.memory_space<semaphore_mem>>, %arg7: memref<2x8x!tpu.dma_semaphore, #tpu.memory_space<semaphore_mem>>) attributes {dimension_semantics = [#tpu.dimension_semantics<arbitrary>], iteration_bounds = array<i64: 123>, scalar_prefetch = 0 : i64, scratch_operands = 4 : i64, tpu.core_type = #tpu.core_type<tc>, window_params = [{}, {pipeline_mode = #tpu.pipeline_mode<synchronous>, transform_indices = @transform_1, window_bounds = array<i64: 32, 576>}, {}]} {
    %rem3A = arith.constant 2 : i32
    %rem3A_0 = arith.remsi %arg0, %rem3A : i32
    %add3A = arith.constant 1 : i32
    %add3A_1 = arith.addi %arg0, %add3A : i32
    %rem3A_2 = arith.constant 2 : i32
    %rem3A_3 = arith.remsi %add3A_1, %rem3A_2 : i32
    %eq3A = arith.constant 0 : i32
    %eq3A_4 = arith.cmpi eq, %arg0, %eq3A : i32
    %convert_element_type3A = arith.extui %eq3A_4 : i1 to i32
    %cond3A = arith.constant 0 : i32
    %cond3A_5 = arith.cmpi ne, %convert_element_type3A, %cond3A : i32
    scf.if %cond3A_5 {
      %dma_start3A_138 = arith.constant 0 : i32
      %dma_start3A_139 = arith.constant 0 : i32
      %dma_start3A_140 = arith.constant 0 : i32
      %dma_start3A_141 = tpu.memref_slice %arg6[%dma_start3A_139, %dma_start3A_140] : memref<2x8x!tpu.dma_semaphore, #tpu.memory_space<semaphore_mem>> -> memref<1x1x!tpu.dma_semaphore, #tpu.memory_space<semaphore_mem>>
      %dma_start3A_142 = tpu.memref_squeeze %dma_start3A_141 : memref<1x1x!tpu.dma_semaphore, #tpu.memory_space<semaphore_mem>> -> memref<!tpu.dma_semaphore, #tpu.memory_space<semaphore_mem>>
      %dma_start3A_143 = arith.constant 0 : i32
      %dma_start3A_144 = arith.constant 0 : i32
      %dma_start3A_145 = tpu.memref_slice %arg4[%dma_start3A_138, %dma_start3A_143, %dma_start3A_144] : memref<2x32x8192xf32, #tpu.memory_space<vmem>> -> memref<1x32x1024xf32, #tpu.memory_space<vmem>>
      %dma_start3A_146 = tpu.memref_squeeze %dma_start3A_145 : memref<1x32x1024xf32, #tpu.memory_space<vmem>> -> memref<32x1024xf32, #tpu.memory_space<vmem>>
      %dma_start3A_147 = arith.constant 0 : i32
      %dma_start3A_148 = arith.constant 0 : i32
      %dma_start3A_149 = tpu.memref_slice %arg1[%dma_start3A_147, %dma_start3A_148] : memref<32x1000000xf32, #tpu.memory_space<any>> -> memref<32x1024xf32, #tpu.memory_space<any>>
      tpu.enqueue_dma source(%dma_start3A_149 : memref<32x1024xf32, #tpu.memory_space<any>>) target(%dma_start3A_146 : memref<32x1024xf32, #tpu.memory_space<vmem>>) target_semaphore(%dma_start3A_142 : memref<!tpu.dma_semaphore, #tpu.memory_space<semaphore_mem>>)
      %dma_start3A_150 = arith.constant 0 : i32
      %dma_start3A_151 = arith.constant 0 : i32
      %dma_start3A_152 = arith.constant 1 : i32
      %dma_start3A_153 = tpu.memref_slice %arg6[%dma_start3A_151, %dma_start3A_152] : memref<2x8x!tpu.dma_semaphore, #tpu.memory_space<semaphore_mem>> -> memref<1x1x!tpu.dma_semaphore, #tpu.memory_space<semaphore_mem>>
      %dma_start3A_154 = tpu.memref_squeeze %dma_start3A_153 : memref<1x1x!tpu.dma_semaphore, #tpu.memory_space<semaphore_mem>> -> memref<!tpu.dma_semaphore, #tpu.memory_space<semaphore_mem>>
      %dma_start3A_155 = arith.constant 0 : i32
      %dma_start3A_156 = arith.constant 1024 : i32
      %dma_start3A_157 = tpu.memref_slice %arg4[%dma_start3A_150, %dma_start3A_155, %dma_start3A_156] : memref<2x32x8192xf32, #tpu.memory_space<vmem>> -> memref<1x32x1024xf32, #tpu.memory_space<vmem>>
      %dma_start3A_158 = tpu.memref_squeeze %dma_start3A_157 : memref<1x32x1024xf32, #tpu.memory_space<vmem>> -> memref<32x1024xf32, #tpu.memory_space<vmem>>
      %dma_start3A_159 = arith.constant 0 : i32
      %dma_start3A_160 = arith.constant 1024 : i32
      %dma_start3A_161 = tpu.memref_slice %arg1[%dma_start3A_159, %dma_start3A_160] : memref<32x1000000xf32, #tpu.memory_space<any>> -> memref<32x1024xf32, #tpu.memory_space<any>>
      tpu.enqueue_dma source(%dma_start3A_161 : memref<32x1024xf32, #tpu.memory_space<any>>) target(%dma_start3A_158 : memref<32x1024xf32, #tpu.memory_space<vmem>>) target_semaphore(%dma_start3A_154 : memref<!tpu.dma_semaphore, #tpu.memory_space<semaphore_mem>>)
      %dma_start3A_162 = arith.constant 0 : i32
      %dma_start3A_163 = arith.constant 0 : i32
      %dma_start3A_164 = arith.constant 2 : i32
      %dma_start3A_165 = tpu.memref_slice %arg6[%dma_start3A_163, %dma_start3A_164] : memref<2x8x!tpu.dma_semaphore, #tpu.memory_space<semaphore_mem>> -> memref<1x1x!tpu.dma_semaphore, #tpu.memory_space<semaphore_mem>>
      %dma_start3A_166 = tpu.memref_squeeze %dma_start3A_165 : memref<1x1x!tpu.dma_semaphore, #tpu.memory_space<semaphore_mem>> -> memref<!tpu.dma_semaphore, #tpu.memory_space<semaphore_mem>>
      %dma_start3A_167 = arith.constant 0 : i32
      %dma_start3A_168 = arith.constant 2048 : i32
      %dma_start3A_169 = tpu.memref_slice %arg4[%dma_start3A_162, %dma_start3A_167, %dma_start3A_168] : memref<2x32x8192xf32, #tpu.memory_space<vmem>> -> memref<1x32x1024xf32, #tpu.memory_space<vmem>>
      %dma_start3A_170 = tpu.memref_squeeze %dma_start3A_169 : memref<1x32x1024xf32, #tpu.memory_space<vmem>> -> memref<32x1024xf32, #tpu.memory_space<vmem>>
      %dma_start3A_171 = arith.constant 0 : i32
      %dma_start3A_172 = arith.constant 2048 : i32
      %dma_start3A_173 = tpu.memref_slice %arg1[%dma_start3A_171, %dma_start3A_172] : memref<32x1000000xf32, #tpu.memory_space<any>> -> memref<32x1024xf32, #tpu.memory_space<any>>
      tpu.enqueue_dma source(%dma_start3A_173 : memref<32x1024xf32, #tpu.memory_space<any>>) target(%dma_start3A_170 : memref<32x1024xf32, #tpu.memory_space<vmem>>) target_semaphore(%dma_start3A_166 : memref<!tpu.dma_semaphore, #tpu.memory_space<semaphore_mem>>)
      %dma_start3A_174 = arith.constant 0 : i32
      %dma_start3A_175 = arith.constant 0 : i32
      %dma_start3A_176 = arith.constant 3 : i32
      %dma_start3A_177 = tpu.memref_slice %arg6[%dma_start3A_175, %dma_start3A_176] : memref<2x8x!tpu.dma_semaphore, #tpu.memory_space<semaphore_mem>> -> memref<1x1x!tpu.dma_semaphore, #tpu.memory_space<semaphore_mem>>
      %dma_start3A_178 = tpu.memref_squeeze %dma_start3A_177 : memref<1x1x!tpu.dma_semaphore, #tpu.memory_space<semaphore_mem>> -> memref<!tpu.dma_semaphore, #tpu.memory_space<semaphore_mem>>
      %dma_start3A_179 = arith.constant 0 : i32
      %dma_start3A_180 = arith.constant 3072 : i32
      %dma_start3A_181 = tpu.memref_slice %arg4[%dma_start3A_174, %dma_start3A_179, %dma_start3A_180] : memref<2x32x8192xf32, #tpu.memory_space<vmem>> -> memref<1x32x1024xf32, #tpu.memory_space<vmem>>
      %dma_start3A_182 = tpu.memref_squeeze %dma_start3A_181 : memref<1x32x1024xf32, #tpu.memory_space<vmem>> -> memref<32x1024xf32, #tpu.memory_space<vmem>>
      %dma_start3A_183 = arith.constant 0 : i32
      %dma_start3A_184 = arith.constant 3072 : i32
      %dma_start3A_185 = tpu.memref_slice %arg1[%dma_start3A_183, %dma_start3A_184] : memref<32x1000000xf32, #tpu.memory_space<any>> -> memref<32x1024xf32, #tpu.memory_space<any>>
      tpu.enqueue_dma source(%dma_start3A_185 : memref<32x1024xf32, #tpu.memory_space<any>>) target(%dma_start3A_182 : memref<32x1024xf32, #tpu.memory_space<vmem>>) target_semaphore(%dma_start3A_178 : memref<!tpu.dma_semaphore, #tpu.memory_space<semaphore_mem>>)
      %dma_start3A_186 = arith.constant 0 : i32
      %dma_start3A_187 = arith.constant 0 : i32
      %dma_start3A_188 = arith.constant 4 : i32
      %dma_start3A_189 = tpu.memref_slice %arg6[%dma_start3A_187, %dma_start3A_188] : memref<2x8x!tpu.dma_semaphore, #tpu.memory_space<semaphore_mem>> -> memref<1x1x!tpu.dma_semaphore, #tpu.memory_space<semaphore_mem>>
      %dma_start3A_190 = tpu.memref_squeeze %dma_start3A_189 : memref<1x1x!tpu.dma_semaphore, #tpu.memory_space<semaphore_mem>> -> memref<!tpu.dma_semaphore, #tpu.memory_space<semaphore_mem>>
      %dma_start3A_191 = arith.constant 0 : i32
      %dma_start3A_192 = arith.constant 4096 : i32
      %dma_start3A_193 = tpu.memref_slice %arg4[%dma_start3A_186, %dma_start3A_191, %dma_start3A_192] : memref<2x32x8192xf32, #tpu.memory_space<vmem>> -> memref<1x32x1024xf32, #tpu.memory_space<vmem>>
      %dma_start3A_194 = tpu.memref_squeeze %dma_start3A_193 : memref<1x32x1024xf32, #tpu.memory_space<vmem>> -> memref<32x1024xf32, #tpu.memory_space<vmem>>
      %dma_start3A_195 = arith.constant 0 : i32
      %dma_start3A_196 = arith.constant 4096 : i32
      %dma_start3A_197 = tpu.memref_slice %arg1[%dma_start3A_195, %dma_start3A_196] : memref<32x1000000xf32, #tpu.memory_space<any>> -> memref<32x1024xf32, #tpu.memory_space<any>>
      tpu.enqueue_dma source(%dma_start3A_197 : memref<32x1024xf32, #tpu.memory_space<any>>) target(%dma_start3A_194 : memref<32x1024xf32, #tpu.memory_space<vmem>>) target_semaphore(%dma_start3A_190 : memref<!tpu.dma_semaphore, #tpu.memory_space<semaphore_mem>>)
      %dma_start3A_198 = arith.constant 0 : i32
      %dma_start3A_199 = arith.constant 0 : i32
      %dma_start3A_200 = arith.constant 5 : i32
      %dma_start3A_201 = tpu.memref_slice %arg6[%dma_start3A_199, %dma_start3A_200] : memref<2x8x!tpu.dma_semaphore, #tpu.memory_space<semaphore_mem>> -> memref<1x1x!tpu.dma_semaphore, #tpu.memory_space<semaphore_mem>>
      %dma_start3A_202 = tpu.memref_squeeze %dma_start3A_201 : memref<1x1x!tpu.dma_semaphore, #tpu.memory_space<semaphore_mem>> -> memref<!tpu.dma_semaphore, #tpu.memory_space<semaphore_mem>>
      %dma_start3A_203 = arith.constant 0 : i32
      %dma_start3A_204 = arith.constant 5120 : i32
      %dma_start3A_205 = tpu.memref_slice %arg4[%dma_start3A_198, %dma_start3A_203, %dma_start3A_204] : memref<2x32x8192xf32, #tpu.memory_space<vmem>> -> memref<1x32x1024xf32, #tpu.memory_space<vmem>>
      %dma_start3A_206 = tpu.memref_squeeze %dma_start3A_205 : memref<1x32x1024xf32, #tpu.memory_space<vmem>> -> memref<32x1024xf32, #tpu.memory_space<vmem>>
      %dma_start3A_207 = arith.constant 0 : i32
      %dma_start3A_208 = arith.constant 5120 : i32
      %dma_start3A_209 = tpu.memref_slice %arg1[%dma_start3A_207, %dma_start3A_208] : memref<32x1000000xf32, #tpu.memory_space<any>> -> memref<32x1024xf32, #tpu.memory_space<any>>
      tpu.enqueue_dma source(%dma_start3A_209 : memref<32x1024xf32, #tpu.memory_space<any>>) target(%dma_start3A_206 : memref<32x1024xf32, #tpu.memory_space<vmem>>) target_semaphore(%dma_start3A_202 : memref<!tpu.dma_semaphore, #tpu.memory_space<semaphore_mem>>)
      %dma_start3A_210 = arith.constant 0 : i32
      %dma_start3A_211 = arith.constant 0 : i32
      %dma_start3A_212 = arith.constant 6 : i32
      %dma_start3A_213 = tpu.memref_slice %arg6[%dma_start3A_211, %dma_start3A_212] : memref<2x8x!tpu.dma_semaphore, #tpu.memory_space<semaphore_mem>> -> memref<1x1x!tpu.dma_semaphore, #tpu.memory_space<semaphore_mem>>
      %dma_start3A_214 = tpu.memref_squeeze %dma_start3A_213 : memref<1x1x!tpu.dma_semaphore, #tpu.memory_space<semaphore_mem>> -> memref<!tpu.dma_semaphore, #tpu.memory_space<semaphore_mem>>
      %dma_start3A_215 = arith.constant 0 : i32
      %dma_start3A_216 = arith.constant 6144 : i32
      %dma_start3A_217 = tpu.memref_slice %arg4[%dma_start3A_210, %dma_start3A_215, %dma_start3A_216] : memref<2x32x8192xf32, #tpu.memory_space<vmem>> -> memref<1x32x1024xf32, #tpu.memory_space<vmem>>
      %dma_start3A_218 = tpu.memref_squeeze %dma_start3A_217 : memref<1x32x1024xf32, #tpu.memory_space<vmem>> -> memref<32x1024xf32, #tpu.memory_space<vmem>>
      %dma_start3A_219 = arith.constant 0 : i32
      %dma_start3A_220 = arith.constant 6144 : i32
      %dma_start3A_221 = tpu.memref_slice %arg1[%dma_start3A_219, %dma_start3A_220] : memref<32x1000000xf32, #tpu.memory_space<any>> -> memref<32x1024xf32, #tpu.memory_space<any>>
      tpu.enqueue_dma source(%dma_start3A_221 : memref<32x1024xf32, #tpu.memory_space<any>>) target(%dma_start3A_218 : memref<32x1024xf32, #tpu.memory_space<vmem>>) target_semaphore(%dma_start3A_214 : memref<!tpu.dma_semaphore, #tpu.memory_space<semaphore_mem>>)
      %dma_start3A_222 = arith.constant 0 : i32
      %dma_start3A_223 = arith.constant 0 : i32
      %dma_start3A_224 = arith.constant 7 : i32
      %dma_start3A_225 = tpu.memref_slice %arg6[%dma_start3A_223, %dma_start3A_224] : memref<2x8x!tpu.dma_semaphore, #tpu.memory_space<semaphore_mem>> -> memref<1x1x!tpu.dma_semaphore, #tpu.memory_space<semaphore_mem>>
      %dma_start3A_226 = tpu.memref_squeeze %dma_start3A_225 : memref<1x1x!tpu.dma_semaphore, #tpu.memory_space<semaphore_mem>> -> memref<!tpu.dma_semaphore, #tpu.memory_space<semaphore_mem>>
      %dma_start3A_227 = arith.constant 0 : i32
      %dma_start3A_228 = arith.constant 7168 : i32
      %dma_start3A_229 = tpu.memref_slice %arg4[%dma_start3A_222, %dma_start3A_227, %dma_start3A_228] : memref<2x32x8192xf32, #tpu.memory_space<vmem>> -> memref<1x32x1024xf32, #tpu.memory_space<vmem>>
      %dma_start3A_230 = tpu.memref_squeeze %dma_start3A_229 : memref<1x32x1024xf32, #tpu.memory_space<vmem>> -> memref<32x1024xf32, #tpu.memory_space<vmem>>
      %dma_start3A_231 = arith.constant 0 : i32
      %dma_start3A_232 = arith.constant 7168 : i32
      %dma_start3A_233 = tpu.memref_slice %arg1[%dma_start3A_231, %dma_start3A_232] : memref<32x1000000xf32, #tpu.memory_space<any>> -> memref<32x1024xf32, #tpu.memory_space<any>>
      tpu.enqueue_dma source(%dma_start3A_233 : memref<32x1024xf32, #tpu.memory_space<any>>) target(%dma_start3A_230 : memref<32x1024xf32, #tpu.memory_space<vmem>>) target_semaphore(%dma_start3A_226 : memref<!tpu.dma_semaphore, #tpu.memory_space<semaphore_mem>>)
    } else {
    }
    %add3A_6 = arith.constant 1 : i32
    %add3A_7 = arith.addi %arg0, %add3A_6 : i32
    %lt3A = arith.constant 122 : i32
    %lt3A_8 = arith.cmpi slt, %add3A_7, %lt3A : i32
    %convert_element_type3A_9 = arith.extui %lt3A_8 : i1 to i32
    %cond3A_10 = arith.constant 0 : i32
    %cond3A_11 = arith.cmpi ne, %convert_element_type3A_9, %cond3A_10 : i32
    scf.if %cond3A_11 {
      %add3A_138 = arith.constant 1 : i32
      %add3A_139 = arith.addi %arg0, %add3A_138 : i32
      %mul3A_140 = arith.constant 8192 : i32
      %mul3A_141 = arith.muli %add3A_139, %mul3A_140 : i32
      %add3A_142 = arith.constant 0 : i32
      %add3A_143 = arith.addi %mul3A_141, %add3A_142 : i32
      %dma_start3A_144 = arith.constant 0 : i32
      %dma_start3A_145 = tpu.memref_slice %arg6[%rem3A_3, %dma_start3A_144] : memref<2x8x!tpu.dma_semaphore, #tpu.memory_space<semaphore_mem>> -> memref<1x1x!tpu.dma_semaphore, #tpu.memory_space<semaphore_mem>>
      %dma_start3A_146 = tpu.memref_squeeze %dma_start3A_145 : memref<1x1x!tpu.dma_semaphore, #tpu.memory_space<semaphore_mem>> -> memref<!tpu.dma_semaphore, #tpu.memory_space<semaphore_mem>>
      %dma_start3A_147 = arith.constant 0 : i32
      %dma_start3A_148 = arith.constant 0 : i32
      %dma_start3A_149 = tpu.memref_slice %arg4[%rem3A_3, %dma_start3A_147, %dma_start3A_148] : memref<2x32x8192xf32, #tpu.memory_space<vmem>> -> memref<1x32x1024xf32, #tpu.memory_space<vmem>>
      %dma_start3A_150 = tpu.memref_squeeze %dma_start3A_149 : memref<1x32x1024xf32, #tpu.memory_space<vmem>> -> memref<32x1024xf32, #tpu.memory_space<vmem>>
      %dma_start3A_151 = arith.constant 0 : i32
      %dma_start3A_152 = tpu.memref_slice %arg1[%dma_start3A_151, %add3A_143] : memref<32x1000000xf32, #tpu.memory_space<any>> -> memref<32x1024xf32, #tpu.memory_space<any>>
      tpu.enqueue_dma source(%dma_start3A_152 : memref<32x1024xf32, #tpu.memory_space<any>>) target(%dma_start3A_150 : memref<32x1024xf32, #tpu.memory_space<vmem>>) target_semaphore(%dma_start3A_146 : memref<!tpu.dma_semaphore, #tpu.memory_space<semaphore_mem>>)
      %add3A_153 = arith.constant 1 : i32
      %add3A_154 = arith.addi %arg0, %add3A_153 : i32
      %mul3A_155 = arith.constant 8192 : i32
      %mul3A_156 = arith.muli %add3A_154, %mul3A_155 : i32
      %add3A_157 = arith.constant 1024 : i32
      %add3A_158 = arith.addi %mul3A_156, %add3A_157 : i32
      %dma_start3A_159 = arith.constant 1 : i32
      %dma_start3A_160 = tpu.memref_slice %arg6[%rem3A_3, %dma_start3A_159] : memref<2x8x!tpu.dma_semaphore, #tpu.memory_space<semaphore_mem>> -> memref<1x1x!tpu.dma_semaphore, #tpu.memory_space<semaphore_mem>>
      %dma_start3A_161 = tpu.memref_squeeze %dma_start3A_160 : memref<1x1x!tpu.dma_semaphore, #tpu.memory_space<semaphore_mem>> -> memref<!tpu.dma_semaphore, #tpu.memory_space<semaphore_mem>>
      %dma_start3A_162 = arith.constant 0 : i32
      %dma_start3A_163 = arith.constant 1024 : i32
      %dma_start3A_164 = tpu.memref_slice %arg4[%rem3A_3, %dma_start3A_162, %dma_start3A_163] : memref<2x32x8192xf32, #tpu.memory_space<vmem>> -> memref<1x32x1024xf32, #tpu.memory_space<vmem>>
      %dma_start3A_165 = tpu.memref_squeeze %dma_start3A_164 : memref<1x32x1024xf32, #tpu.memory_space<vmem>> -> memref<32x1024xf32, #tpu.memory_space<vmem>>
      %dma_start3A_166 = arith.constant 0 : i32
      %dma_start3A_167 = tpu.memref_slice %arg1[%dma_start3A_166, %add3A_158] : memref<32x1000000xf32, #tpu.memory_space<any>> -> memref<32x1024xf32, #tpu.memory_space<any>>
      tpu.enqueue_dma source(%dma_start3A_167 : memref<32x1024xf32, #tpu.memory_space<any>>) target(%dma_start3A_165 : memref<32x1024xf32, #tpu.memory_space<vmem>>) target_semaphore(%dma_start3A_161 : memref<!tpu.dma_semaphore, #tpu.memory_space<semaphore_mem>>)
      %add3A_168 = arith.constant 1 : i32
      %add3A_169 = arith.addi %arg0, %add3A_168 : i32
      %mul3A_170 = arith.constant 8192 : i32
      %mul3A_171 = arith.muli %add3A_169, %mul3A_170 : i32
      %add3A_172 = arith.constant 2048 : i32
      %add3A_173 = arith.addi %mul3A_171, %add3A_172 : i32
      %dma_start3A_174 = arith.constant 2 : i32
      %dma_start3A_175 = tpu.memref_slice %arg6[%rem3A_3, %dma_start3A_174] : memref<2x8x!tpu.dma_semaphore, #tpu.memory_space<semaphore_mem>> -> memref<1x1x!tpu.dma_semaphore, #tpu.memory_space<semaphore_mem>>
      %dma_start3A_176 = tpu.memref_squeeze %dma_start3A_175 : memref<1x1x!tpu.dma_semaphore, #tpu.memory_space<semaphore_mem>> -> memref<!tpu.dma_semaphore, #tpu.memory_space<semaphore_mem>>
      %dma_start3A_177 = arith.constant 0 : i32
      %dma_start3A_178 = arith.constant 2048 : i32
      %dma_start3A_179 = tpu.memref_slice %arg4[%rem3A_3, %dma_start3A_177, %dma_start3A_178] : memref<2x32x8192xf32, #tpu.memory_space<vmem>> -> memref<1x32x1024xf32, #tpu.memory_space<vmem>>
      %dma_start3A_180 = tpu.memref_squeeze %dma_start3A_179 : memref<1x32x1024xf32, #tpu.memory_space<vmem>> -> memref<32x1024xf32, #tpu.memory_space<vmem>>
      %dma_start3A_181 = arith.constant 0 : i32
      %dma_start3A_182 = tpu.memref_slice %arg1[%dma_start3A_181, %add3A_173] : memref<32x1000000xf32, #tpu.memory_space<any>> -> memref<32x1024xf32, #tpu.memory_space<any>>
      tpu.enqueue_dma source(%dma_start3A_182 : memref<32x1024xf32, #tpu.memory_space<any>>) target(%dma_start3A_180 : memref<32x1024xf32, #tpu.memory_space<vmem>>) target_semaphore(%dma_start3A_176 : memref<!tpu.dma_semaphore, #tpu.memory_space<semaphore_mem>>)
      %add3A_183 = arith.constant 1 : i32
      %add3A_184 = arith.addi %arg0, %add3A_183 : i32
      %mul3A_185 = arith.constant 8192 : i32
      %mul3A_186 = arith.muli %add3A_184, %mul3A_185 : i32
      %add3A_187 = arith.constant 3072 : i32
      %add3A_188 = arith.addi %mul3A_186, %add3A_187 : i32
      %dma_start3A_189 = arith.constant 3 : i32
      %dma_start3A_190 = tpu.memref_slice %arg6[%rem3A_3, %dma_start3A_189] : memref<2x8x!tpu.dma_semaphore, #tpu.memory_space<semaphore_mem>> -> memref<1x1x!tpu.dma_semaphore, #tpu.memory_space<semaphore_mem>>
      %dma_start3A_191 = tpu.memref_squeeze %dma_start3A_190 : memref<1x1x!tpu.dma_semaphore, #tpu.memory_space<semaphore_mem>> -> memref<!tpu.dma_semaphore, #tpu.memory_space<semaphore_mem>>
      %dma_start3A_192 = arith.constant 0 : i32
      %dma_start3A_193 = arith.constant 3072 : i32
      %dma_start3A_194 = tpu.memref_slice %arg4[%rem3A_3, %dma_start3A_192, %dma_start3A_193] : memref<2x32x8192xf32, #tpu.memory_space<vmem>> -> memref<1x32x1024xf32, #tpu.memory_space<vmem>>
      %dma_start3A_195 = tpu.memref_squeeze %dma_start3A_194 : memref<1x32x1024xf32, #tpu.memory_space<vmem>> -> memref<32x1024xf32, #tpu.memory_space<vmem>>
      %dma_start3A_196 = arith.constant 0 : i32
      %dma_start3A_197 = tpu.memref_slice %arg1[%dma_start3A_196, %add3A_188] : memref<32x1000000xf32, #tpu.memory_space<any>> -> memref<32x1024xf32, #tpu.memory_space<any>>
      tpu.enqueue_dma source(%dma_start3A_197 : memref<32x1024xf32, #tpu.memory_space<any>>) target(%dma_start3A_195 : memref<32x1024xf32, #tpu.memory_space<vmem>>) target_semaphore(%dma_start3A_191 : memref<!tpu.dma_semaphore, #tpu.memory_space<semaphore_mem>>)
      %add3A_198 = arith.constant 1 : i32
      %add3A_199 = arith.addi %arg0, %add3A_198 : i32
      %mul3A_200 = arith.constant 8192 : i32
      %mul3A_201 = arith.muli %add3A_199, %mul3A_200 : i32
      %add3A_202 = arith.constant 4096 : i32
      %add3A_203 = arith.addi %mul3A_201, %add3A_202 : i32
      %dma_start3A_204 = arith.constant 4 : i32
      %dma_start3A_205 = tpu.memref_slice %arg6[%rem3A_3, %dma_start3A_204] : memref<2x8x!tpu.dma_semaphore, #tpu.memory_space<semaphore_mem>> -> memref<1x1x!tpu.dma_semaphore, #tpu.memory_space<semaphore_mem>>
      %dma_start3A_206 = tpu.memref_squeeze %dma_start3A_205 : memref<1x1x!tpu.dma_semaphore, #tpu.memory_space<semaphore_mem>> -> memref<!tpu.dma_semaphore, #tpu.memory_space<semaphore_mem>>
      %dma_start3A_207 = arith.constant 0 : i32
      %dma_start3A_208 = arith.constant 4096 : i32
      %dma_start3A_209 = tpu.memref_slice %arg4[%rem3A_3, %dma_start3A_207, %dma_start3A_208] : memref<2x32x8192xf32, #tpu.memory_space<vmem>> -> memref<1x32x1024xf32, #tpu.memory_space<vmem>>
      %dma_start3A_210 = tpu.memref_squeeze %dma_start3A_209 : memref<1x32x1024xf32, #tpu.memory_space<vmem>> -> memref<32x1024xf32, #tpu.memory_space<vmem>>
      %dma_start3A_211 = arith.constant 0 : i32
      %dma_start3A_212 = tpu.memref_slice %arg1[%dma_start3A_211, %add3A_203] : memref<32x1000000xf32, #tpu.memory_space<any>> -> memref<32x1024xf32, #tpu.memory_space<any>>
      tpu.enqueue_dma source(%dma_start3A_212 : memref<32x1024xf32, #tpu.memory_space<any>>) target(%dma_start3A_210 : memref<32x1024xf32, #tpu.memory_space<vmem>>) target_semaphore(%dma_start3A_206 : memref<!tpu.dma_semaphore, #tpu.memory_space<semaphore_mem>>)
      %add3A_213 = arith.constant 1 : i32
      %add3A_214 = arith.addi %arg0, %add3A_213 : i32
      %mul3A_215 = arith.constant 8192 : i32
      %mul3A_216 = arith.muli %add3A_214, %mul3A_215 : i32
      %add3A_217 = arith.constant 5120 : i32
      %add3A_218 = arith.addi %mul3A_216, %add3A_217 : i32
      %dma_start3A_219 = arith.constant 5 : i32
      %dma_start3A_220 = tpu.memref_slice %arg6[%rem3A_3, %dma_start3A_219] : memref<2x8x!tpu.dma_semaphore, #tpu.memory_space<semaphore_mem>> -> memref<1x1x!tpu.dma_semaphore, #tpu.memory_space<semaphore_mem>>
      %dma_start3A_221 = tpu.memref_squeeze %dma_start3A_220 : memref<1x1x!tpu.dma_semaphore, #tpu.memory_space<semaphore_mem>> -> memref<!tpu.dma_semaphore, #tpu.memory_space<semaphore_mem>>
      %dma_start3A_222 = arith.constant 0 : i32
      %dma_start3A_223 = arith.constant 5120 : i32
      %dma_start3A_224 = tpu.memref_slice %arg4[%rem3A_3, %dma_start3A_222, %dma_start3A_223] : memref<2x32x8192xf32, #tpu.memory_space<vmem>> -> memref<1x32x1024xf32, #tpu.memory_space<vmem>>
      %dma_start3A_225 = tpu.memref_squeeze %dma_start3A_224 : memref<1x32x1024xf32, #tpu.memory_space<vmem>> -> memref<32x1024xf32, #tpu.memory_space<vmem>>
      %dma_start3A_226 = arith.constant 0 : i32
      %dma_start3A_227 = tpu.memref_slice %arg1[%dma_start3A_226, %add3A_218] : memref<32x1000000xf32, #tpu.memory_space<any>> -> memref<32x1024xf32, #tpu.memory_space<any>>
      tpu.enqueue_dma source(%dma_start3A_227 : memref<32x1024xf32, #tpu.memory_space<any>>) target(%dma_start3A_225 : memref<32x1024xf32, #tpu.memory_space<vmem>>) target_semaphore(%dma_start3A_221 : memref<!tpu.dma_semaphore, #tpu.memory_space<semaphore_mem>>)
      %add3A_228 = arith.constant 1 : i32
      %add3A_229 = arith.addi %arg0, %add3A_228 : i32
      %mul3A_230 = arith.constant 8192 : i32
      %mul3A_231 = arith.muli %add3A_229, %mul3A_230 : i32
      %add3A_232 = arith.constant 6144 : i32
      %add3A_233 = arith.addi %mul3A_231, %add3A_232 : i32
      %dma_start3A_234 = arith.constant 6 : i32
      %dma_start3A_235 = tpu.memref_slice %arg6[%rem3A_3, %dma_start3A_234] : memref<2x8x!tpu.dma_semaphore, #tpu.memory_space<semaphore_mem>> -> memref<1x1x!tpu.dma_semaphore, #tpu.memory_space<semaphore_mem>>
      %dma_start3A_236 = tpu.memref_squeeze %dma_start3A_235 : memref<1x1x!tpu.dma_semaphore, #tpu.memory_space<semaphore_mem>> -> memref<!tpu.dma_semaphore, #tpu.memory_space<semaphore_mem>>
      %dma_start3A_237 = arith.constant 0 : i32
      %dma_start3A_238 = arith.constant 6144 : i32
      %dma_start3A_239 = tpu.memref_slice %arg4[%rem3A_3, %dma_start3A_237, %dma_start3A_238] : memref<2x32x8192xf32, #tpu.memory_space<vmem>> -> memref<1x32x1024xf32, #tpu.memory_space<vmem>>
      %dma_start3A_240 = tpu.memref_squeeze %dma_start3A_239 : memref<1x32x1024xf32, #tpu.memory_space<vmem>> -> memref<32x1024xf32, #tpu.memory_space<vmem>>
      %dma_start3A_241 = arith.constant 0 : i32
      %dma_start3A_242 = tpu.memref_slice %arg1[%dma_start3A_241, %add3A_233] : memref<32x1000000xf32, #tpu.memory_space<any>> -> memref<32x1024xf32, #tpu.memory_space<any>>
      tpu.enqueue_dma source(%dma_start3A_242 : memref<32x1024xf32, #tpu.memory_space<any>>) target(%dma_start3A_240 : memref<32x1024xf32, #tpu.memory_space<vmem>>) target_semaphore(%dma_start3A_236 : memref<!tpu.dma_semaphore, #tpu.memory_space<semaphore_mem>>)
      %add3A_243 = arith.constant 1 : i32
      %add3A_244 = arith.addi %arg0, %add3A_243 : i32
      %mul3A_245 = arith.constant 8192 : i32
      %mul3A_246 = arith.muli %add3A_244, %mul3A_245 : i32
      %add3A_247 = arith.constant 7168 : i32
      %add3A_248 = arith.addi %mul3A_246, %add3A_247 : i32
      %dma_start3A_249 = arith.constant 7 : i32
      %dma_start3A_250 = tpu.memref_slice %arg6[%rem3A_3, %dma_start3A_249] : memref<2x8x!tpu.dma_semaphore, #tpu.memory_space<semaphore_mem>> -> memref<1x1x!tpu.dma_semaphore, #tpu.memory_space<semaphore_mem>>
      %dma_start3A_251 = tpu.memref_squeeze %dma_start3A_250 : memref<1x1x!tpu.dma_semaphore, #tpu.memory_space<semaphore_mem>> -> memref<!tpu.dma_semaphore, #tpu.memory_space<semaphore_mem>>
      %dma_start3A_252 = arith.constant 0 : i32
      %dma_start3A_253 = arith.constant 7168 : i32
      %dma_start3A_254 = tpu.memref_slice %arg4[%rem3A_3, %dma_start3A_252, %dma_start3A_253] : memref<2x32x8192xf32, #tpu.memory_space<vmem>> -> memref<1x32x1024xf32, #tpu.memory_space<vmem>>
      %dma_start3A_255 = tpu.memref_squeeze %dma_start3A_254 : memref<1x32x1024xf32, #tpu.memory_space<vmem>> -> memref<32x1024xf32, #tpu.memory_space<vmem>>
      %dma_start3A_256 = arith.constant 0 : i32
      %dma_start3A_257 = tpu.memref_slice %arg1[%dma_start3A_256, %add3A_248] : memref<32x1000000xf32, #tpu.memory_space<any>> -> memref<32x1024xf32, #tpu.memory_space<any>>
      tpu.enqueue_dma source(%dma_start3A_257 : memref<32x1024xf32, #tpu.memory_space<any>>) target(%dma_start3A_255 : memref<32x1024xf32, #tpu.memory_space<vmem>>) target_semaphore(%dma_start3A_251 : memref<!tpu.dma_semaphore, #tpu.memory_space<semaphore_mem>>)
    } else {
    }
    %lt3A_12 = arith.constant 122 : i32
    %lt3A_13 = arith.cmpi slt, %arg0, %lt3A_12 : i32
    %convert_element_type3A_14 = arith.extui %lt3A_13 : i1 to i32
    %cond3A_15 = arith.constant 0 : i32
    %cond3A_16 = arith.cmpi ne, %convert_element_type3A_14, %cond3A_15 : i32
    scf.if %cond3A_16 {
      %mul3A_138 = arith.constant 8192 : i32
      %mul3A_139 = arith.muli %arg0, %mul3A_138 : i32
      %add3A_140 = arith.constant 0 : i32
      %add3A_141 = arith.addi %mul3A_139, %add3A_140 : i32
      %dma_wait3A = arith.constant 0 : i32
      %dma_wait3A_142 = tpu.memref_slice %arg6[%rem3A_0, %dma_wait3A] : memref<2x8x!tpu.dma_semaphore, #tpu.memory_space<semaphore_mem>> -> memref<1x1x!tpu.dma_semaphore, #tpu.memory_space<semaphore_mem>>
      %dma_wait3A_143 = tpu.memref_squeeze %dma_wait3A_142 : memref<1x1x!tpu.dma_semaphore, #tpu.memory_space<semaphore_mem>> -> memref<!tpu.dma_semaphore, #tpu.memory_space<semaphore_mem>>
      %dma_wait3A_144 = arith.constant 0 : i32
      %dma_wait3A_145 = arith.constant 0 : i32
      %dma_wait3A_146 = tpu.memref_slice %arg4[%rem3A_0, %dma_wait3A_144, %dma_wait3A_145] : memref<2x32x8192xf32, #tpu.memory_space<vmem>> -> memref<1x32x1024xf32, #tpu.memory_space<vmem>>
      %dma_wait3A_147 = tpu.memref_squeeze %dma_wait3A_146 : memref<1x32x1024xf32, #tpu.memory_space<vmem>> -> memref<32x1024xf32, #tpu.memory_space<vmem>>
      %dma_wait3A_148 = arith.constant 0 : i32
      %dma_wait3A_149 = tpu.memref_slice %arg1[%dma_wait3A_148, %add3A_141] : memref<32x1000000xf32, #tpu.memory_space<any>> -> memref<32x1024xf32, #tpu.memory_space<any>>
      tpu.wait_dma2 semaphore(%dma_wait3A_143 : memref<!tpu.dma_semaphore, #tpu.memory_space<semaphore_mem>>) src(%dma_wait3A_149 : memref<32x1024xf32, #tpu.memory_space<any>>) dst(%dma_wait3A_147 : memref<32x1024xf32, #tpu.memory_space<vmem>>)
      %mul3A_150 = arith.constant 8192 : i32
      %mul3A_151 = arith.muli %arg0, %mul3A_150 : i32
      %add3A_152 = arith.constant 1024 : i32
      %add3A_153 = arith.addi %mul3A_151, %add3A_152 : i32
      %dma_wait3A_154 = arith.constant 1 : i32
      %dma_wait3A_155 = tpu.memref_slice %arg6[%rem3A_0, %dma_wait3A_154] : memref<2x8x!tpu.dma_semaphore, #tpu.memory_space<semaphore_mem>> -> memref<1x1x!tpu.dma_semaphore, #tpu.memory_space<semaphore_mem>>
      %dma_wait3A_156 = tpu.memref_squeeze %dma_wait3A_155 : memref<1x1x!tpu.dma_semaphore, #tpu.memory_space<semaphore_mem>> -> memref<!tpu.dma_semaphore, #tpu.memory_space<semaphore_mem>>
      %dma_wait3A_157 = arith.constant 0 : i32
      %dma_wait3A_158 = arith.constant 1024 : i32
      %dma_wait3A_159 = tpu.memref_slice %arg4[%rem3A_0, %dma_wait3A_157, %dma_wait3A_158] : memref<2x32x8192xf32, #tpu.memory_space<vmem>> -> memref<1x32x1024xf32, #tpu.memory_space<vmem>>
      %dma_wait3A_160 = tpu.memref_squeeze %dma_wait3A_159 : memref<1x32x1024xf32, #tpu.memory_space<vmem>> -> memref<32x1024xf32, #tpu.memory_space<vmem>>
      %dma_wait3A_161 = arith.constant 0 : i32
      %dma_wait3A_162 = tpu.memref_slice %arg1[%dma_wait3A_161, %add3A_153] : memref<32x1000000xf32, #tpu.memory_space<any>> -> memref<32x1024xf32, #tpu.memory_space<any>>
      tpu.wait_dma2 semaphore(%dma_wait3A_156 : memref<!tpu.dma_semaphore, #tpu.memory_space<semaphore_mem>>) src(%dma_wait3A_162 : memref<32x1024xf32, #tpu.memory_space<any>>) dst(%dma_wait3A_160 : memref<32x1024xf32, #tpu.memory_space<vmem>>)
      %mul3A_163 = arith.constant 8192 : i32
      %mul3A_164 = arith.muli %arg0, %mul3A_163 : i32
      %add3A_165 = arith.constant 2048 : i32
      %add3A_166 = arith.addi %mul3A_164, %add3A_165 : i32
      %dma_wait3A_167 = arith.constant 2 : i32
      %dma_wait3A_168 = tpu.memref_slice %arg6[%rem3A_0, %dma_wait3A_167] : memref<2x8x!tpu.dma_semaphore, #tpu.memory_space<semaphore_mem>> -> memref<1x1x!tpu.dma_semaphore, #tpu.memory_space<semaphore_mem>>
      %dma_wait3A_169 = tpu.memref_squeeze %dma_wait3A_168 : memref<1x1x!tpu.dma_semaphore, #tpu.memory_space<semaphore_mem>> -> memref<!tpu.dma_semaphore, #tpu.memory_space<semaphore_mem>>
      %dma_wait3A_170 = arith.constant 0 : i32
      %dma_wait3A_171 = arith.constant 2048 : i32
      %dma_wait3A_172 = tpu.memref_slice %arg4[%rem3A_0, %dma_wait3A_170, %dma_wait3A_171] : memref<2x32x8192xf32, #tpu.memory_space<vmem>> -> memref<1x32x1024xf32, #tpu.memory_space<vmem>>
      %dma_wait3A_173 = tpu.memref_squeeze %dma_wait3A_172 : memref<1x32x1024xf32, #tpu.memory_space<vmem>> -> memref<32x1024xf32, #tpu.memory_space<vmem>>
      %dma_wait3A_174 = arith.constant 0 : i32
      %dma_wait3A_175 = tpu.memref_slice %arg1[%dma_wait3A_174, %add3A_166] : memref<32x1000000xf32, #tpu.memory_space<any>> -> memref<32x1024xf32, #tpu.memory_space<any>>
      tpu.wait_dma2 semaphore(%dma_wait3A_169 : memref<!tpu.dma_semaphore, #tpu.memory_space<semaphore_mem>>) src(%dma_wait3A_175 : memref<32x1024xf32, #tpu.memory_space<any>>) dst(%dma_wait3A_173 : memref<32x1024xf32, #tpu.memory_space<vmem>>)
      %mul3A_176 = arith.constant 8192 : i32
      %mul3A_177 = arith.muli %arg0, %mul3A_176 : i32
      %add3A_178 = arith.constant 3072 : i32
      %add3A_179 = arith.addi %mul3A_177, %add3A_178 : i32
      %dma_wait3A_180 = arith.constant 3 : i32
      %dma_wait3A_181 = tpu.memref_slice %arg6[%rem3A_0, %dma_wait3A_180] : memref<2x8x!tpu.dma_semaphore, #tpu.memory_space<semaphore_mem>> -> memref<1x1x!tpu.dma_semaphore, #tpu.memory_space<semaphore_mem>>
      %dma_wait3A_182 = tpu.memref_squeeze %dma_wait3A_181 : memref<1x1x!tpu.dma_semaphore, #tpu.memory_space<semaphore_mem>> -> memref<!tpu.dma_semaphore, #tpu.memory_space<semaphore_mem>>
      %dma_wait3A_183 = arith.constant 0 : i32
      %dma_wait3A_184 = arith.constant 3072 : i32
      %dma_wait3A_185 = tpu.memref_slice %arg4[%rem3A_0, %dma_wait3A_183, %dma_wait3A_184] : memref<2x32x8192xf32, #tpu.memory_space<vmem>> -> memref<1x32x1024xf32, #tpu.memory_space<vmem>>
      %dma_wait3A_186 = tpu.memref_squeeze %dma_wait3A_185 : memref<1x32x1024xf32, #tpu.memory_space<vmem>> -> memref<32x1024xf32, #tpu.memory_space<vmem>>
      %dma_wait3A_187 = arith.constant 0 : i32
      %dma_wait3A_188 = tpu.memref_slice %arg1[%dma_wait3A_187, %add3A_179] : memref<32x1000000xf32, #tpu.memory_space<any>> -> memref<32x1024xf32, #tpu.memory_space<any>>
      tpu.wait_dma2 semaphore(%dma_wait3A_182 : memref<!tpu.dma_semaphore, #tpu.memory_space<semaphore_mem>>) src(%dma_wait3A_188 : memref<32x1024xf32, #tpu.memory_space<any>>) dst(%dma_wait3A_186 : memref<32x1024xf32, #tpu.memory_space<vmem>>)
      %mul3A_189 = arith.constant 8192 : i32
      %mul3A_190 = arith.muli %arg0, %mul3A_189 : i32
      %add3A_191 = arith.constant 4096 : i32
      %add3A_192 = arith.addi %mul3A_190, %add3A_191 : i32
      %dma_wait3A_193 = arith.constant 4 : i32
      %dma_wait3A_194 = tpu.memref_slice %arg6[%rem3A_0, %dma_wait3A_193] : memref<2x8x!tpu.dma_semaphore, #tpu.memory_space<semaphore_mem>> -> memref<1x1x!tpu.dma_semaphore, #tpu.memory_space<semaphore_mem>>
      %dma_wait3A_195 = tpu.memref_squeeze %dma_wait3A_194 : memref<1x1x!tpu.dma_semaphore, #tpu.memory_space<semaphore_mem>> -> memref<!tpu.dma_semaphore, #tpu.memory_space<semaphore_mem>>
      %dma_wait3A_196 = arith.constant 0 : i32
      %dma_wait3A_197 = arith.constant 4096 : i32
      %dma_wait3A_198 = tpu.memref_slice %arg4[%rem3A_0, %dma_wait3A_196, %dma_wait3A_197] : memref<2x32x8192xf32, #tpu.memory_space<vmem>> -> memref<1x32x1024xf32, #tpu.memory_space<vmem>>
      %dma_wait3A_199 = tpu.memref_squeeze %dma_wait3A_198 : memref<1x32x1024xf32, #tpu.memory_space<vmem>> -> memref<32x1024xf32, #tpu.memory_space<vmem>>
      %dma_wait3A_200 = arith.constant 0 : i32
      %dma_wait3A_201 = tpu.memref_slice %arg1[%dma_wait3A_200, %add3A_192] : memref<32x1000000xf32, #tpu.memory_space<any>> -> memref<32x1024xf32, #tpu.memory_space<any>>
      tpu.wait_dma2 semaphore(%dma_wait3A_195 : memref<!tpu.dma_semaphore, #tpu.memory_space<semaphore_mem>>) src(%dma_wait3A_201 : memref<32x1024xf32, #tpu.memory_space<any>>) dst(%dma_wait3A_199 : memref<32x1024xf32, #tpu.memory_space<vmem>>)
      %mul3A_202 = arith.constant 8192 : i32
      %mul3A_203 = arith.muli %arg0, %mul3A_202 : i32
      %add3A_204 = arith.constant 5120 : i32
      %add3A_205 = arith.addi %mul3A_203, %add3A_204 : i32
      %dma_wait3A_206 = arith.constant 5 : i32
      %dma_wait3A_207 = tpu.memref_slice %arg6[%rem3A_0, %dma_wait3A_206] : memref<2x8x!tpu.dma_semaphore, #tpu.memory_space<semaphore_mem>> -> memref<1x1x!tpu.dma_semaphore, #tpu.memory_space<semaphore_mem>>
      %dma_wait3A_208 = tpu.memref_squeeze %dma_wait3A_207 : memref<1x1x!tpu.dma_semaphore, #tpu.memory_space<semaphore_mem>> -> memref<!tpu.dma_semaphore, #tpu.memory_space<semaphore_mem>>
      %dma_wait3A_209 = arith.constant 0 : i32
      %dma_wait3A_210 = arith.constant 5120 : i32
      %dma_wait3A_211 = tpu.memref_slice %arg4[%rem3A_0, %dma_wait3A_209, %dma_wait3A_210] : memref<2x32x8192xf32, #tpu.memory_space<vmem>> -> memref<1x32x1024xf32, #tpu.memory_space<vmem>>
      %dma_wait3A_212 = tpu.memref_squeeze %dma_wait3A_211 : memref<1x32x1024xf32, #tpu.memory_space<vmem>> -> memref<32x1024xf32, #tpu.memory_space<vmem>>
      %dma_wait3A_213 = arith.constant 0 : i32
      %dma_wait3A_214 = tpu.memref_slice %arg1[%dma_wait3A_213, %add3A_205] : memref<32x1000000xf32, #tpu.memory_space<any>> -> memref<32x1024xf32, #tpu.memory_space<any>>
      tpu.wait_dma2 semaphore(%dma_wait3A_208 : memref<!tpu.dma_semaphore, #tpu.memory_space<semaphore_mem>>) src(%dma_wait3A_214 : memref<32x1024xf32, #tpu.memory_space<any>>) dst(%dma_wait3A_212 : memref<32x1024xf32, #tpu.memory_space<vmem>>)
      %mul3A_215 = arith.constant 8192 : i32
      %mul3A_216 = arith.muli %arg0, %mul3A_215 : i32
      %add3A_217 = arith.constant 6144 : i32
      %add3A_218 = arith.addi %mul3A_216, %add3A_217 : i32
      %dma_wait3A_219 = arith.constant 6 : i32
      %dma_wait3A_220 = tpu.memref_slice %arg6[%rem3A_0, %dma_wait3A_219] : memref<2x8x!tpu.dma_semaphore, #tpu.memory_space<semaphore_mem>> -> memref<1x1x!tpu.dma_semaphore, #tpu.memory_space<semaphore_mem>>
      %dma_wait3A_221 = tpu.memref_squeeze %dma_wait3A_220 : memref<1x1x!tpu.dma_semaphore, #tpu.memory_space<semaphore_mem>> -> memref<!tpu.dma_semaphore, #tpu.memory_space<semaphore_mem>>
      %dma_wait3A_222 = arith.constant 0 : i32
      %dma_wait3A_223 = arith.constant 6144 : i32
      %dma_wait3A_224 = tpu.memref_slice %arg4[%rem3A_0, %dma_wait3A_222, %dma_wait3A_223] : memref<2x32x8192xf32, #tpu.memory_space<vmem>> -> memref<1x32x1024xf32, #tpu.memory_space<vmem>>
      %dma_wait3A_225 = tpu.memref_squeeze %dma_wait3A_224 : memref<1x32x1024xf32, #tpu.memory_space<vmem>> -> memref<32x1024xf32, #tpu.memory_space<vmem>>
      %dma_wait3A_226 = arith.constant 0 : i32
      %dma_wait3A_227 = tpu.memref_slice %arg1[%dma_wait3A_226, %add3A_218] : memref<32x1000000xf32, #tpu.memory_space<any>> -> memref<32x1024xf32, #tpu.memory_space<any>>
      tpu.wait_dma2 semaphore(%dma_wait3A_221 : memref<!tpu.dma_semaphore, #tpu.memory_space<semaphore_mem>>) src(%dma_wait3A_227 : memref<32x1024xf32, #tpu.memory_space<any>>) dst(%dma_wait3A_225 : memref<32x1024xf32, #tpu.memory_space<vmem>>)
      %mul3A_228 = arith.constant 8192 : i32
      %mul3A_229 = arith.muli %arg0, %mul3A_228 : i32
      %add3A_230 = arith.constant 7168 : i32
      %add3A_231 = arith.addi %mul3A_229, %add3A_230 : i32
      %dma_wait3A_232 = arith.constant 7 : i32
      %dma_wait3A_233 = tpu.memref_slice %arg6[%rem3A_0, %dma_wait3A_232] : memref<2x8x!tpu.dma_semaphore, #tpu.memory_space<semaphore_mem>> -> memref<1x1x!tpu.dma_semaphore, #tpu.memory_space<semaphore_mem>>
      %dma_wait3A_234 = tpu.memref_squeeze %dma_wait3A_233 : memref<1x1x!tpu.dma_semaphore, #tpu.memory_space<semaphore_mem>> -> memref<!tpu.dma_semaphore, #tpu.memory_space<semaphore_mem>>
      %dma_wait3A_235 = arith.constant 0 : i32
      %dma_wait3A_236 = arith.constant 7168 : i32
      %dma_wait3A_237 = tpu.memref_slice %arg4[%rem3A_0, %dma_wait3A_235, %dma_wait3A_236] : memref<2x32x8192xf32, #tpu.memory_space<vmem>> -> memref<1x32x1024xf32, #tpu.memory_space<vmem>>
      %dma_wait3A_238 = tpu.memref_squeeze %dma_wait3A_237 : memref<1x32x1024xf32, #tpu.memory_space<vmem>> -> memref<32x1024xf32, #tpu.memory_space<vmem>>
      %dma_wait3A_239 = arith.constant 0 : i32
      %dma_wait3A_240 = tpu.memref_slice %arg1[%dma_wait3A_239, %add3A_231] : memref<32x1000000xf32, #tpu.memory_space<any>> -> memref<32x1024xf32, #tpu.memory_space<any>>
      tpu.wait_dma2 semaphore(%dma_wait3A_234 : memref<!tpu.dma_semaphore, #tpu.memory_space<semaphore_mem>>) src(%dma_wait3A_240 : memref<32x1024xf32, #tpu.memory_space<any>>) dst(%dma_wait3A_238 : memref<32x1024xf32, #tpu.memory_space<vmem>>)
    } else {
    }
    %ge3A = arith.constant 2 : i32
    %ge3A_17 = arith.cmpi sge, %arg0, %ge3A : i32
    %convert_element_type3A_18 = arith.extui %ge3A_17 : i1 to i32
    %cond3A_19 = arith.constant 0 : i32
    %cond3A_20 = arith.cmpi ne, %convert_element_type3A_18, %cond3A_19 : i32
    scf.if %cond3A_20 {
      %sub3A = arith.constant 2 : i32
      %sub3A_138 = arith.subi %arg0, %sub3A : i32
      %mul3A_139 = arith.constant 8192 : i32
      %mul3A_140 = arith.muli %sub3A_138, %mul3A_139 : i32
      %add3A_141 = arith.constant 0 : i32
      %add3A_142 = arith.addi %mul3A_140, %add3A_141 : i32
      %dma_wait3A = arith.constant 0 : i32
      %dma_wait3A_143 = tpu.memref_slice %arg7[%rem3A_0, %dma_wait3A] : memref<2x8x!tpu.dma_semaphore, #tpu.memory_space<semaphore_mem>> -> memref<1x1x!tpu.dma_semaphore, #tpu.memory_space<semaphore_mem>>
      %dma_wait3A_144 = tpu.memref_squeeze %dma_wait3A_143 : memref<1x1x!tpu.dma_semaphore, #tpu.memory_space<semaphore_mem>> -> memref<!tpu.dma_semaphore, #tpu.memory_space<semaphore_mem>>
      %dma_wait3A_145 = arith.constant 0 : i32
      %dma_wait3A_146 = tpu.memref_slice %arg3[%add3A_142, %dma_wait3A_145] : memref<1007616x32xf32, #tpu.memory_space<any>> -> memref<1024x32xf32, #tpu.memory_space<any>>
      %dma_wait3A_147 = arith.constant 0 : i32
      %dma_wait3A_148 = arith.constant 0 : i32
      %dma_wait3A_149 = tpu.memref_slice %arg5[%rem3A_0, %dma_wait3A_147, %dma_wait3A_148] : memref<2x8192x32xf32, #tpu.memory_space<vmem>> -> memref<1x1024x32xf32, #tpu.memory_space<vmem>>
      %dma_wait3A_150 = tpu.memref_squeeze %dma_wait3A_149 : memref<1x1024x32xf32, #tpu.memory_space<vmem>> -> memref<1024x32xf32, #tpu.memory_space<vmem>>
      tpu.wait_dma2 semaphore(%dma_wait3A_144 : memref<!tpu.dma_semaphore, #tpu.memory_space<semaphore_mem>>) src(%dma_wait3A_150 : memref<1024x32xf32, #tpu.memory_space<vmem>>) dst(%dma_wait3A_146 : memref<1024x32xf32, #tpu.memory_space<any>>)
      %sub3A_151 = arith.constant 2 : i32
      %sub3A_152 = arith.subi %arg0, %sub3A_151 : i32
      %mul3A_153 = arith.constant 8192 : i32
      %mul3A_154 = arith.muli %sub3A_152, %mul3A_153 : i32
      %add3A_155 = arith.constant 1024 : i32
      %add3A_156 = arith.addi %mul3A_154, %add3A_155 : i32
      %dma_wait3A_157 = arith.constant 1 : i32
      %dma_wait3A_158 = tpu.memref_slice %arg7[%rem3A_0, %dma_wait3A_157] : memref<2x8x!tpu.dma_semaphore, #tpu.memory_space<semaphore_mem>> -> memref<1x1x!tpu.dma_semaphore, #tpu.memory_space<semaphore_mem>>
      %dma_wait3A_159 = tpu.memref_squeeze %dma_wait3A_158 : memref<1x1x!tpu.dma_semaphore, #tpu.memory_space<semaphore_mem>> -> memref<!tpu.dma_semaphore, #tpu.memory_space<semaphore_mem>>
      %dma_wait3A_160 = arith.constant 0 : i32
      %dma_wait3A_161 = tpu.memref_slice %arg3[%add3A_156, %dma_wait3A_160] : memref<1007616x32xf32, #tpu.memory_space<any>> -> memref<1024x32xf32, #tpu.memory_space<any>>
      %dma_wait3A_162 = arith.constant 1024 : i32
      %dma_wait3A_163 = arith.constant 0 : i32
      %dma_wait3A_164 = tpu.memref_slice %arg5[%rem3A_0, %dma_wait3A_162, %dma_wait3A_163] : memref<2x8192x32xf32, #tpu.memory_space<vmem>> -> memref<1x1024x32xf32, #tpu.memory_space<vmem>>
      %dma_wait3A_165 = tpu.memref_squeeze %dma_wait3A_164 : memref<1x1024x32xf32, #tpu.memory_space<vmem>> -> memref<1024x32xf32, #tpu.memory_space<vmem>>
      tpu.wait_dma2 semaphore(%dma_wait3A_159 : memref<!tpu.dma_semaphore, #tpu.memory_space<semaphore_mem>>) src(%dma_wait3A_165 : memref<1024x32xf32, #tpu.memory_space<vmem>>) dst(%dma_wait3A_161 : memref<1024x32xf32, #tpu.memory_space<any>>)
      %sub3A_166 = arith.constant 2 : i32
      %sub3A_167 = arith.subi %arg0, %sub3A_166 : i32
      %mul3A_168 = arith.constant 8192 : i32
      %mul3A_169 = arith.muli %sub3A_167, %mul3A_168 : i32
      %add3A_170 = arith.constant 2048 : i32
      %add3A_171 = arith.addi %mul3A_169, %add3A_170 : i32
      %dma_wait3A_172 = arith.constant 2 : i32
      %dma_wait3A_173 = tpu.memref_slice %arg7[%rem3A_0, %dma_wait3A_172] : memref<2x8x!tpu.dma_semaphore, #tpu.memory_space<semaphore_mem>> -> memref<1x1x!tpu.dma_semaphore, #tpu.memory_space<semaphore_mem>>
      %dma_wait3A_174 = tpu.memref_squeeze %dma_wait3A_173 : memref<1x1x!tpu.dma_semaphore, #tpu.memory_space<semaphore_mem>> -> memref<!tpu.dma_semaphore, #tpu.memory_space<semaphore_mem>>
      %dma_wait3A_175 = arith.constant 0 : i32
      %dma_wait3A_176 = tpu.memref_slice %arg3[%add3A_171, %dma_wait3A_175] : memref<1007616x32xf32, #tpu.memory_space<any>> -> memref<1024x32xf32, #tpu.memory_space<any>>
      %dma_wait3A_177 = arith.constant 2048 : i32
      %dma_wait3A_178 = arith.constant 0 : i32
      %dma_wait3A_179 = tpu.memref_slice %arg5[%rem3A_0, %dma_wait3A_177, %dma_wait3A_178] : memref<2x8192x32xf32, #tpu.memory_space<vmem>> -> memref<1x1024x32xf32, #tpu.memory_space<vmem>>
      %dma_wait3A_180 = tpu.memref_squeeze %dma_wait3A_179 : memref<1x1024x32xf32, #tpu.memory_space<vmem>> -> memref<1024x32xf32, #tpu.memory_space<vmem>>
      tpu.wait_dma2 semaphore(%dma_wait3A_174 : memref<!tpu.dma_semaphore, #tpu.memory_space<semaphore_mem>>) src(%dma_wait3A_180 : memref<1024x32xf32, #tpu.memory_space<vmem>>) dst(%dma_wait3A_176 : memref<1024x32xf32, #tpu.memory_space<any>>)
      %sub3A_181 = arith.constant 2 : i32
      %sub3A_182 = arith.subi %arg0, %sub3A_181 : i32
      %mul3A_183 = arith.constant 8192 : i32
      %mul3A_184 = arith.muli %sub3A_182, %mul3A_183 : i32
      %add3A_185 = arith.constant 3072 : i32
      %add3A_186 = arith.addi %mul3A_184, %add3A_185 : i32
      %dma_wait3A_187 = arith.constant 3 : i32
      %dma_wait3A_188 = tpu.memref_slice %arg7[%rem3A_0, %dma_wait3A_187] : memref<2x8x!tpu.dma_semaphore, #tpu.memory_space<semaphore_mem>> -> memref<1x1x!tpu.dma_semaphore, #tpu.memory_space<semaphore_mem>>
      %dma_wait3A_189 = tpu.memref_squeeze %dma_wait3A_188 : memref<1x1x!tpu.dma_semaphore, #tpu.memory_space<semaphore_mem>> -> memref<!tpu.dma_semaphore, #tpu.memory_space<semaphore_mem>>
      %dma_wait3A_190 = arith.constant 0 : i32
      %dma_wait3A_191 = tpu.memref_slice %arg3[%add3A_186, %dma_wait3A_190] : memref<1007616x32xf32, #tpu.memory_space<any>> -> memref<1024x32xf32, #tpu.memory_space<any>>
      %dma_wait3A_192 = arith.constant 3072 : i32
      %dma_wait3A_193 = arith.constant 0 : i32
      %dma_wait3A_194 = tpu.memref_slice %arg5[%rem3A_0, %dma_wait3A_192, %dma_wait3A_193] : memref<2x8192x32xf32, #tpu.memory_space<vmem>> -> memref<1x1024x32xf32, #tpu.memory_space<vmem>>
      %dma_wait3A_195 = tpu.memref_squeeze %dma_wait3A_194 : memref<1x1024x32xf32, #tpu.memory_space<vmem>> -> memref<1024x32xf32, #tpu.memory_space<vmem>>
      tpu.wait_dma2 semaphore(%dma_wait3A_189 : memref<!tpu.dma_semaphore, #tpu.memory_space<semaphore_mem>>) src(%dma_wait3A_195 : memref<1024x32xf32, #tpu.memory_space<vmem>>) dst(%dma_wait3A_191 : memref<1024x32xf32, #tpu.memory_space<any>>)
      %sub3A_196 = arith.constant 2 : i32
      %sub3A_197 = arith.subi %arg0, %sub3A_196 : i32
      %mul3A_198 = arith.constant 8192 : i32
      %mul3A_199 = arith.muli %sub3A_197, %mul3A_198 : i32
      %add3A_200 = arith.constant 4096 : i32
      %add3A_201 = arith.addi %mul3A_199, %add3A_200 : i32
      %dma_wait3A_202 = arith.constant 4 : i32
      %dma_wait3A_203 = tpu.memref_slice %arg7[%rem3A_0, %dma_wait3A_202] : memref<2x8x!tpu.dma_semaphore, #tpu.memory_space<semaphore_mem>> -> memref<1x1x!tpu.dma_semaphore, #tpu.memory_space<semaphore_mem>>
      %dma_wait3A_204 = tpu.memref_squeeze %dma_wait3A_203 : memref<1x1x!tpu.dma_semaphore, #tpu.memory_space<semaphore_mem>> -> memref<!tpu.dma_semaphore, #tpu.memory_space<semaphore_mem>>
      %dma_wait3A_205 = arith.constant 0 : i32
      %dma_wait3A_206 = tpu.memref_slice %arg3[%add3A_201, %dma_wait3A_205] : memref<1007616x32xf32, #tpu.memory_space<any>> -> memref<1024x32xf32, #tpu.memory_space<any>>
      %dma_wait3A_207 = arith.constant 4096 : i32
      %dma_wait3A_208 = arith.constant 0 : i32
      %dma_wait3A_209 = tpu.memref_slice %arg5[%rem3A_0, %dma_wait3A_207, %dma_wait3A_208] : memref<2x8192x32xf32, #tpu.memory_space<vmem>> -> memref<1x1024x32xf32, #tpu.memory_space<vmem>>
      %dma_wait3A_210 = tpu.memref_squeeze %dma_wait3A_209 : memref<1x1024x32xf32, #tpu.memory_space<vmem>> -> memref<1024x32xf32, #tpu.memory_space<vmem>>
      tpu.wait_dma2 semaphore(%dma_wait3A_204 : memref<!tpu.dma_semaphore, #tpu.memory_space<semaphore_mem>>) src(%dma_wait3A_210 : memref<1024x32xf32, #tpu.memory_space<vmem>>) dst(%dma_wait3A_206 : memref<1024x32xf32, #tpu.memory_space<any>>)
      %sub3A_211 = arith.constant 2 : i32
      %sub3A_212 = arith.subi %arg0, %sub3A_211 : i32
      %mul3A_213 = arith.constant 8192 : i32
      %mul3A_214 = arith.muli %sub3A_212, %mul3A_213 : i32
      %add3A_215 = arith.constant 5120 : i32
      %add3A_216 = arith.addi %mul3A_214, %add3A_215 : i32
      %dma_wait3A_217 = arith.constant 5 : i32
      %dma_wait3A_218 = tpu.memref_slice %arg7[%rem3A_0, %dma_wait3A_217] : memref<2x8x!tpu.dma_semaphore, #tpu.memory_space<semaphore_mem>> -> memref<1x1x!tpu.dma_semaphore, #tpu.memory_space<semaphore_mem>>
      %dma_wait3A_219 = tpu.memref_squeeze %dma_wait3A_218 : memref<1x1x!tpu.dma_semaphore, #tpu.memory_space<semaphore_mem>> -> memref<!tpu.dma_semaphore, #tpu.memory_space<semaphore_mem>>
      %dma_wait3A_220 = arith.constant 0 : i32
      %dma_wait3A_221 = tpu.memref_slice %arg3[%add3A_216, %dma_wait3A_220] : memref<1007616x32xf32, #tpu.memory_space<any>> -> memref<1024x32xf32, #tpu.memory_space<any>>
      %dma_wait3A_222 = arith.constant 5120 : i32
      %dma_wait3A_223 = arith.constant 0 : i32
      %dma_wait3A_224 = tpu.memref_slice %arg5[%rem3A_0, %dma_wait3A_222, %dma_wait3A_223] : memref<2x8192x32xf32, #tpu.memory_space<vmem>> -> memref<1x1024x32xf32, #tpu.memory_space<vmem>>
      %dma_wait3A_225 = tpu.memref_squeeze %dma_wait3A_224 : memref<1x1024x32xf32, #tpu.memory_space<vmem>> -> memref<1024x32xf32, #tpu.memory_space<vmem>>
      tpu.wait_dma2 semaphore(%dma_wait3A_219 : memref<!tpu.dma_semaphore, #tpu.memory_space<semaphore_mem>>) src(%dma_wait3A_225 : memref<1024x32xf32, #tpu.memory_space<vmem>>) dst(%dma_wait3A_221 : memref<1024x32xf32, #tpu.memory_space<any>>)
      %sub3A_226 = arith.constant 2 : i32
      %sub3A_227 = arith.subi %arg0, %sub3A_226 : i32
      %mul3A_228 = arith.constant 8192 : i32
      %mul3A_229 = arith.muli %sub3A_227, %mul3A_228 : i32
      %add3A_230 = arith.constant 6144 : i32
      %add3A_231 = arith.addi %mul3A_229, %add3A_230 : i32
      %dma_wait3A_232 = arith.constant 6 : i32
      %dma_wait3A_233 = tpu.memref_slice %arg7[%rem3A_0, %dma_wait3A_232] : memref<2x8x!tpu.dma_semaphore, #tpu.memory_space<semaphore_mem>> -> memref<1x1x!tpu.dma_semaphore, #tpu.memory_space<semaphore_mem>>
      %dma_wait3A_234 = tpu.memref_squeeze %dma_wait3A_233 : memref<1x1x!tpu.dma_semaphore, #tpu.memory_space<semaphore_mem>> -> memref<!tpu.dma_semaphore, #tpu.memory_space<semaphore_mem>>
      %dma_wait3A_235 = arith.constant 0 : i32
      %dma_wait3A_236 = tpu.memref_slice %arg3[%add3A_231, %dma_wait3A_235] : memref<1007616x32xf32, #tpu.memory_space<any>> -> memref<1024x32xf32, #tpu.memory_space<any>>
      %dma_wait3A_237 = arith.constant 6144 : i32
      %dma_wait3A_238 = arith.constant 0 : i32
      %dma_wait3A_239 = tpu.memref_slice %arg5[%rem3A_0, %dma_wait3A_237, %dma_wait3A_238] : memref<2x8192x32xf32, #tpu.memory_space<vmem>> -> memref<1x1024x32xf32, #tpu.memory_space<vmem>>
      %dma_wait3A_240 = tpu.memref_squeeze %dma_wait3A_239 : memref<1x1024x32xf32, #tpu.memory_space<vmem>> -> memref<1024x32xf32, #tpu.memory_space<vmem>>
      tpu.wait_dma2 semaphore(%dma_wait3A_234 : memref<!tpu.dma_semaphore, #tpu.memory_space<semaphore_mem>>) src(%dma_wait3A_240 : memref<1024x32xf32, #tpu.memory_space<vmem>>) dst(%dma_wait3A_236 : memref<1024x32xf32, #tpu.memory_space<any>>)
      %sub3A_241 = arith.constant 2 : i32
      %sub3A_242 = arith.subi %arg0, %sub3A_241 : i32
      %mul3A_243 = arith.constant 8192 : i32
      %mul3A_244 = arith.muli %sub3A_242, %mul3A_243 : i32
      %add3A_245 = arith.constant 7168 : i32
      %add3A_246 = arith.addi %mul3A_244, %add3A_245 : i32
      %dma_wait3A_247 = arith.constant 7 : i32
      %dma_wait3A_248 = tpu.memref_slice %arg7[%rem3A_0, %dma_wait3A_247] : memref<2x8x!tpu.dma_semaphore, #tpu.memory_space<semaphore_mem>> -> memref<1x1x!tpu.dma_semaphore, #tpu.memory_space<semaphore_mem>>
      %dma_wait3A_249 = tpu.memref_squeeze %dma_wait3A_248 : memref<1x1x!tpu.dma_semaphore, #tpu.memory_space<semaphore_mem>> -> memref<!tpu.dma_semaphore, #tpu.memory_space<semaphore_mem>>
      %dma_wait3A_250 = arith.constant 0 : i32
      %dma_wait3A_251 = tpu.memref_slice %arg3[%add3A_246, %dma_wait3A_250] : memref<1007616x32xf32, #tpu.memory_space<any>> -> memref<1024x32xf32, #tpu.memory_space<any>>
      %dma_wait3A_252 = arith.constant 7168 : i32
      %dma_wait3A_253 = arith.constant 0 : i32
      %dma_wait3A_254 = tpu.memref_slice %arg5[%rem3A_0, %dma_wait3A_252, %dma_wait3A_253] : memref<2x8192x32xf32, #tpu.memory_space<vmem>> -> memref<1x1024x32xf32, #tpu.memory_space<vmem>>
      %dma_wait3A_255 = tpu.memref_squeeze %dma_wait3A_254 : memref<1x1024x32xf32, #tpu.memory_space<vmem>> -> memref<1024x32xf32, #tpu.memory_space<vmem>>
      tpu.wait_dma2 semaphore(%dma_wait3A_249 : memref<!tpu.dma_semaphore, #tpu.memory_space<semaphore_mem>>) src(%dma_wait3A_255 : memref<1024x32xf32, #tpu.memory_space<vmem>>) dst(%dma_wait3A_251 : memref<1024x32xf32, #tpu.memory_space<any>>)
    } else {
    }
    %lt3A_21 = arith.constant 122 : i32
    %lt3A_22 = arith.cmpi slt, %arg0, %lt3A_21 : i32
    %convert_element_type3A_23 = arith.extui %lt3A_22 : i1 to i32
    %cond3A_24 = arith.constant 0 : i32
    %cond3A_25 = arith.cmpi ne, %convert_element_type3A_23, %cond3A_24 : i32
    scf.if %cond3A_25 {
      %get3A = arith.index_cast %rem3A_0 : i32 to index
      %get3A_138 = arith.constant 0 : index
      %get3A_139 = arith.constant 0 : index
      %get3A_140 = vector.load %arg4[%get3A, %get3A_138, %get3A_139] : memref<2x32x8192xf32, #tpu.memory_space<vmem>>, vector<1x32x8192xf32>
      %get3A_141 = vector.shape_cast %get3A_140 : vector<1x32x8192xf32> to vector<32x8192xf32>
      %transpose3A = tpu.transpose %get3A_141, [1, 0] : vector<32x8192xf32> -> vector<8192x32xf32>
      %swap3A = arith.index_cast %rem3A_0 : i32 to index
      %swap3A_142 = arith.constant 0 : index
      %swap3A_143 = arith.constant 0 : index
      %swap3A_144 = vector.load %arg5[%swap3A, %swap3A_142, %swap3A_143] : memref<2x8192x32xf32, #tpu.memory_space<vmem>>, vector<1x8192x32xf32>
      %swap3A_145 = vector.shape_cast %swap3A_144 : vector<1x8192x32xf32> to vector<8192x32xf32>
      %swap3A_146 = vector.shape_cast %transpose3A : vector<8192x32xf32> to vector<1x8192x32xf32>
      tpu.vector_store %arg5[%swap3A, %swap3A_142, %swap3A_143], %swap3A_146 {strides = array<i32>} : memref<2x8192x32xf32, #tpu.memory_space<vmem>>, vector<1x8192x32xf32>,
    } else {
    }
    %eq3A_26 = arith.constant 122 : i32
    %eq3A_27 = arith.cmpi eq, %arg0, %eq3A_26 : i32
    %convert_element_type3A_28 = arith.extui %eq3A_27 : i1 to i32
    %cond3A_29 = arith.constant 0 : i32
    %cond3A_30 = arith.cmpi ne, %convert_element_type3A_28, %cond3A_29 : i32
    scf.if %cond3A_30 {
      %get3A = arith.constant 0 : index
      %get3A_138 = arith.constant 0 : index
      %get3A_139 = vector.load %arg2[%get3A, %get3A_138] : memref<32x576xf32, #tpu.memory_space<vmem>>, vector<32x576xf32>
      %transpose3A = tpu.transpose %get3A_139, [1, 0] : vector<32x576xf32> -> vector<576x32xf32>
      %swap3A = arith.constant 0 : index
      %swap3A_140 = arith.constant 0 : index
      %swap3A_141 = arith.constant 0 : index
      %swap3A_142 = vector.load %arg5[%swap3A, %swap3A_140, %swap3A_141] : memref<2x8192x32xf32, #tpu.memory_space<vmem>>, vector<1x576x32xf32>
      %swap3A_143 = vector.shape_cast %swap3A_142 : vector<1x576x32xf32> to vector<576x32xf32>
      %swap3A_144 = vector.shape_cast %transpose3A : vector<576x32xf32> to vector<1x576x32xf32>
      tpu.vector_store %arg5[%swap3A, %swap3A_140, %swap3A_141], %swap3A_144 {strides = array<i32>} : memref<2x8192x32xf32, #tpu.memory_space<vmem>>, vector<1x576x32xf32>,
    } else {
    }
    %mul3A = arith.constant 8192 : i32
    %mul3A_31 = arith.muli %arg0, %mul3A : i32
    %add3A_32 = arith.constant 0 : i32
    %add3A_33 = arith.addi %mul3A_31, %add3A_32 : i32
    %dma_start3A = arith.constant 0 : i32
    %dma_start3A_34 = tpu.memref_slice %arg7[%rem3A_0, %dma_start3A] : memref<2x8x!tpu.dma_semaphore, #tpu.memory_space<semaphore_mem>> -> memref<1x1x!tpu.dma_semaphore, #tpu.memory_space<semaphore_mem>>
    %dma_start3A_35 = tpu.memref_squeeze %dma_start3A_34 : memref<1x1x!tpu.dma_semaphore, #tpu.memory_space<semaphore_mem>> -> memref<!tpu.dma_semaphore, #tpu.memory_space<semaphore_mem>>
    %dma_start3A_36 = arith.constant 0 : i32
    %dma_start3A_37 = tpu.memref_slice %arg3[%add3A_33, %dma_start3A_36] : memref<1007616x32xf32, #tpu.memory_space<any>> -> memref<1024x32xf32, #tpu.memory_space<any>>
    %dma_start3A_38 = arith.constant 0 : i32
    %dma_start3A_39 = arith.constant 0 : i32
    %dma_start3A_40 = tpu.memref_slice %arg5[%rem3A_0, %dma_start3A_38, %dma_start3A_39] : memref<2x8192x32xf32, #tpu.memory_space<vmem>> -> memref<1x1024x32xf32, #tpu.memory_space<vmem>>
    %dma_start3A_41 = tpu.memref_squeeze %dma_start3A_40 : memref<1x1024x32xf32, #tpu.memory_space<vmem>> -> memref<1024x32xf32, #tpu.memory_space<vmem>>
    tpu.enqueue_dma source(%dma_start3A_41 : memref<1024x32xf32, #tpu.memory_space<vmem>>) target(%dma_start3A_37 : memref<1024x32xf32, #tpu.memory_space<any>>) target_semaphore(%dma_start3A_35 : memref<!tpu.dma_semaphore, #tpu.memory_space<semaphore_mem>>)
    %mul3A_42 = arith.constant 8192 : i32
    %mul3A_43 = arith.muli %arg0, %mul3A_42 : i32
    %add3A_44 = arith.constant 1024 : i32
    %add3A_45 = arith.addi %mul3A_43, %add3A_44 : i32
    %dma_start3A_46 = arith.constant 1 : i32
    %dma_start3A_47 = tpu.memref_slice %arg7[%rem3A_0, %dma_start3A_46] : memref<2x8x!tpu.dma_semaphore, #tpu.memory_space<semaphore_mem>> -> memref<1x1x!tpu.dma_semaphore, #tpu.memory_space<semaphore_mem>>
    %dma_start3A_48 = tpu.memref_squeeze %dma_start3A_47 : memref<1x1x!tpu.dma_semaphore, #tpu.memory_space<semaphore_mem>> -> memref<!tpu.dma_semaphore, #tpu.memory_space<semaphore_mem>>
    %dma_start3A_49 = arith.constant 0 : i32
    %dma_start3A_50 = tpu.memref_slice %arg3[%add3A_45, %dma_start3A_49] : memref<1007616x32xf32, #tpu.memory_space<any>> -> memref<1024x32xf32, #tpu.memory_space<any>>
    %dma_start3A_51 = arith.constant 1024 : i32
    %dma_start3A_52 = arith.constant 0 : i32
    %dma_start3A_53 = tpu.memref_slice %arg5[%rem3A_0, %dma_start3A_51, %dma_start3A_52] : memref<2x8192x32xf32, #tpu.memory_space<vmem>> -> memref<1x1024x32xf32, #tpu.memory_space<vmem>>
    %dma_start3A_54 = tpu.memref_squeeze %dma_start3A_53 : memref<1x1024x32xf32, #tpu.memory_space<vmem>> -> memref<1024x32xf32, #tpu.memory_space<vmem>>
    tpu.enqueue_dma source(%dma_start3A_54 : memref<1024x32xf32, #tpu.memory_space<vmem>>) target(%dma_start3A_50 : memref<1024x32xf32, #tpu.memory_space<any>>) target_semaphore(%dma_start3A_48 : memref<!tpu.dma_semaphore, #tpu.memory_space<semaphore_mem>>)
    %mul3A_55 = arith.constant 8192 : i32
    %mul3A_56 = arith.muli %arg0, %mul3A_55 : i32
    %add3A_57 = arith.constant 2048 : i32
    %add3A_58 = arith.addi %mul3A_56, %add3A_57 : i32
    %dma_start3A_59 = arith.constant 2 : i32
    %dma_start3A_60 = tpu.memref_slice %arg7[%rem3A_0, %dma_start3A_59] : memref<2x8x!tpu.dma_semaphore, #tpu.memory_space<semaphore_mem>> -> memref<1x1x!tpu.dma_semaphore, #tpu.memory_space<semaphore_mem>>
    %dma_start3A_61 = tpu.memref_squeeze %dma_start3A_60 : memref<1x1x!tpu.dma_semaphore, #tpu.memory_space<semaphore_mem>> -> memref<!tpu.dma_semaphore, #tpu.memory_space<semaphore_mem>>
    %dma_start3A_62 = arith.constant 0 : i32
    %dma_start3A_63 = tpu.memref_slice %arg3[%add3A_58, %dma_start3A_62] : memref<1007616x32xf32, #tpu.memory_space<any>> -> memref<1024x32xf32, #tpu.memory_space<any>>
    %dma_start3A_64 = arith.constant 2048 : i32
    %dma_start3A_65 = arith.constant 0 : i32
    %dma_start3A_66 = tpu.memref_slice %arg5[%rem3A_0, %dma_start3A_64, %dma_start3A_65] : memref<2x8192x32xf32, #tpu.memory_space<vmem>> -> memref<1x1024x32xf32, #tpu.memory_space<vmem>>
    %dma_start3A_67 = tpu.memref_squeeze %dma_start3A_66 : memref<1x1024x32xf32, #tpu.memory_space<vmem>> -> memref<1024x32xf32, #tpu.memory_space<vmem>>
    tpu.enqueue_dma source(%dma_start3A_67 : memref<1024x32xf32, #tpu.memory_space<vmem>>) target(%dma_start3A_63 : memref<1024x32xf32, #tpu.memory_space<any>>) target_semaphore(%dma_start3A_61 : memref<!tpu.dma_semaphore, #tpu.memory_space<semaphore_mem>>)
    %mul3A_68 = arith.constant 8192 : i32
    %mul3A_69 = arith.muli %arg0, %mul3A_68 : i32
    %add3A_70 = arith.constant 3072 : i32
    %add3A_71 = arith.addi %mul3A_69, %add3A_70 : i32
    %dma_start3A_72 = arith.constant 3 : i32
    %dma_start3A_73 = tpu.memref_slice %arg7[%rem3A_0, %dma_start3A_72] : memref<2x8x!tpu.dma_semaphore, #tpu.memory_space<semaphore_mem>> -> memref<1x1x!tpu.dma_semaphore, #tpu.memory_space<semaphore_mem>>
    %dma_start3A_74 = tpu.memref_squeeze %dma_start3A_73 : memref<1x1x!tpu.dma_semaphore, #tpu.memory_space<semaphore_mem>> -> memref<!tpu.dma_semaphore, #tpu.memory_space<semaphore_mem>>
    %dma_start3A_75 = arith.constant 0 : i32
    %dma_start3A_76 = tpu.memref_slice %arg3[%add3A_71, %dma_start3A_75] : memref<1007616x32xf32, #tpu.memory_space<any>> -> memref<1024x32xf32, #tpu.memory_space<any>>
    %dma_start3A_77 = arith.constant 3072 : i32
    %dma_start3A_78 = arith.constant 0 : i32
    %dma_start3A_79 = tpu.memref_slice %arg5[%rem3A_0, %dma_start3A_77, %dma_start3A_78] : memref<2x8192x32xf32, #tpu.memory_space<vmem>> -> memref<1x1024x32xf32, #tpu.memory_space<vmem>>
    %dma_start3A_80 = tpu.memref_squeeze %dma_start3A_79 : memref<1x1024x32xf32, #tpu.memory_space<vmem>> -> memref<1024x32xf32, #tpu.memory_space<vmem>>
    tpu.enqueue_dma source(%dma_start3A_80 : memref<1024x32xf32, #tpu.memory_space<vmem>>) target(%dma_start3A_76 : memref<1024x32xf32, #tpu.memory_space<any>>) target_semaphore(%dma_start3A_74 : memref<!tpu.dma_semaphore, #tpu.memory_space<semaphore_mem>>)
    %mul3A_81 = arith.constant 8192 : i32
    %mul3A_82 = arith.muli %arg0, %mul3A_81 : i32
    %add3A_83 = arith.constant 4096 : i32
    %add3A_84 = arith.addi %mul3A_82, %add3A_83 : i32
    %dma_start3A_85 = arith.constant 4 : i32
    %dma_start3A_86 = tpu.memref_slice %arg7[%rem3A_0, %dma_start3A_85] : memref<2x8x!tpu.dma_semaphore, #tpu.memory_space<semaphore_mem>> -> memref<1x1x!tpu.dma_semaphore, #tpu.memory_space<semaphore_mem>>
    %dma_start3A_87 = tpu.memref_squeeze %dma_start3A_86 : memref<1x1x!tpu.dma_semaphore, #tpu.memory_space<semaphore_mem>> -> memref<!tpu.dma_semaphore, #tpu.memory_space<semaphore_mem>>
    %dma_start3A_88 = arith.constant 0 : i32
    %dma_start3A_89 = tpu.memref_slice %arg3[%add3A_84, %dma_start3A_88] : memref<1007616x32xf32, #tpu.memory_space<any>> -> memref<1024x32xf32, #tpu.memory_space<any>>
    %dma_start3A_90 = arith.constant 4096 : i32
    %dma_start3A_91 = arith.constant 0 : i32
    %dma_start3A_92 = tpu.memref_slice %arg5[%rem3A_0, %dma_start3A_90, %dma_start3A_91] : memref<2x8192x32xf32, #tpu.memory_space<vmem>> -> memref<1x1024x32xf32, #tpu.memory_space<vmem>>
    %dma_start3A_93 = tpu.memref_squeeze %dma_start3A_92 : memref<1x1024x32xf32, #tpu.memory_space<vmem>> -> memref<1024x32xf32, #tpu.memory_space<vmem>>
    tpu.enqueue_dma source(%dma_start3A_93 : memref<1024x32xf32, #tpu.memory_space<vmem>>) target(%dma_start3A_89 : memref<1024x32xf32, #tpu.memory_space<any>>) target_semaphore(%dma_start3A_87 : memref<!tpu.dma_semaphore, #tpu.memory_space<semaphore_mem>>)
    %mul3A_94 = arith.constant 8192 : i32
    %mul3A_95 = arith.muli %arg0, %mul3A_94 : i32
    %add3A_96 = arith.constant 5120 : i32
    %add3A_97 = arith.addi %mul3A_95, %add3A_96 : i32
    %dma_start3A_98 = arith.constant 5 : i32
    %dma_start3A_99 = tpu.memref_slice %arg7[%rem3A_0, %dma_start3A_98] : memref<2x8x!tpu.dma_semaphore, #tpu.memory_space<semaphore_mem>> -> memref<1x1x!tpu.dma_semaphore, #tpu.memory_space<semaphore_mem>>
    %dma_start3A_100 = tpu.memref_squeeze %dma_start3A_99 : memref<1x1x!tpu.dma_semaphore, #tpu.memory_space<semaphore_mem>> -> memref<!tpu.dma_semaphore, #tpu.memory_space<semaphore_mem>>
    %dma_start3A_101 = arith.constant 0 : i32
    %dma_start3A_102 = tpu.memref_slice %arg3[%add3A_97, %dma_start3A_101] : memref<1007616x32xf32, #tpu.memory_space<any>> -> memref<1024x32xf32, #tpu.memory_space<any>>
    %dma_start3A_103 = arith.constant 5120 : i32
    %dma_start3A_104 = arith.constant 0 : i32
    %dma_start3A_105 = tpu.memref_slice %arg5[%rem3A_0, %dma_start3A_103, %dma_start3A_104] : memref<2x8192x32xf32, #tpu.memory_space<vmem>> -> memref<1x1024x32xf32, #tpu.memory_space<vmem>>
    %dma_start3A_106 = tpu.memref_squeeze %dma_start3A_105 : memref<1x1024x32xf32, #tpu.memory_space<vmem>> -> memref<1024x32xf32, #tpu.memory_space<vmem>>
    tpu.enqueue_dma source(%dma_start3A_106 : memref<1024x32xf32, #tpu.memory_space<vmem>>) target(%dma_start3A_102 : memref<1024x32xf32, #tpu.memory_space<any>>) target_semaphore(%dma_start3A_100 : memref<!tpu.dma_semaphore, #tpu.memory_space<semaphore_mem>>)
    %mul3A_107 = arith.constant 8192 : i32
    %mul3A_108 = arith.muli %arg0, %mul3A_107 : i32
    %add3A_109 = arith.constant 6144 : i32
    %add3A_110 = arith.addi %mul3A_108, %add3A_109 : i32
    %dma_start3A_111 = arith.constant 6 : i32
    %dma_start3A_112 = tpu.memref_slice %arg7[%rem3A_0, %dma_start3A_111] : memref<2x8x!tpu.dma_semaphore, #tpu.memory_space<semaphore_mem>> -> memref<1x1x!tpu.dma_semaphore, #tpu.memory_space<semaphore_mem>>
    %dma_start3A_113 = tpu.memref_squeeze %dma_start3A_112 : memref<1x1x!tpu.dma_semaphore, #tpu.memory_space<semaphore_mem>> -> memref<!tpu.dma_semaphore, #tpu.memory_space<semaphore_mem>>
    %dma_start3A_114 = arith.constant 0 : i32
    %dma_start3A_115 = tpu.memref_slice %arg3[%add3A_110, %dma_start3A_114] : memref<1007616x32xf32, #tpu.memory_space<any>> -> memref<1024x32xf32, #tpu.memory_space<any>>
    %dma_start3A_116 = arith.constant 6144 : i32
    %dma_start3A_117 = arith.constant 0 : i32
    %dma_start3A_118 = tpu.memref_slice %arg5[%rem3A_0, %dma_start3A_116, %dma_start3A_117] : memref<2x8192x32xf32, #tpu.memory_space<vmem>> -> memref<1x1024x32xf32, #tpu.memory_space<vmem>>
    %dma_start3A_119 = tpu.memref_squeeze %dma_start3A_118 : memref<1x1024x32xf32, #tpu.memory_space<vmem>> -> memref<1024x32xf32, #tpu.memory_space<vmem>>
    tpu.enqueue_dma source(%dma_start3A_119 : memref<1024x32xf32, #tpu.memory_space<vmem>>) target(%dma_start3A_115 : memref<1024x32xf32, #tpu.memory_space<any>>) target_semaphore(%dma_start3A_113 : memref<!tpu.dma_semaphore, #tpu.memory_space<semaphore_mem>>)
    %mul3A_120 = arith.constant 8192 : i32
    %mul3A_121 = arith.muli %arg0, %mul3A_120 : i32
    %add3A_122 = arith.constant 7168 : i32
    %add3A_123 = arith.addi %mul3A_121, %add3A_122 : i32
    %dma_start3A_124 = arith.constant 7 : i32
    %dma_start3A_125 = tpu.memref_slice %arg7[%rem3A_0, %dma_start3A_124] : memref<2x8x!tpu.dma_semaphore, #tpu.memory_space<semaphore_mem>> -> memref<1x1x!tpu.dma_semaphore, #tpu.memory_space<semaphore_mem>>
    %dma_start3A_126 = tpu.memref_squeeze %dma_start3A_125 : memref<1x1x!tpu.dma_semaphore, #tpu.memory_space<semaphore_mem>> -> memref<!tpu.dma_semaphore, #tpu.memory_space<semaphore_mem>>
    %dma_start3A_127 = arith.constant 0 : i32
    %dma_start3A_128 = tpu.memref_slice %arg3[%add3A_123, %dma_start3A_127] : memref<1007616x32xf32, #tpu.memory_space<any>> -> memref<1024x32xf32, #tpu.memory_space<any>>
    %dma_start3A_129 = arith.constant 7168 : i32
    %dma_start3A_130 = arith.constant 0 : i32
    %dma_start3A_131 = tpu.memref_slice %arg5[%rem3A_0, %dma_start3A_129, %dma_start3A_130] : memref<2x8192x32xf32, #tpu.memory_space<vmem>> -> memref<1x1024x32xf32, #tpu.memory_space<vmem>>
    %dma_start3A_132 = tpu.memref_squeeze %dma_start3A_131 : memref<1x1024x32xf32, #tpu.memory_space<vmem>> -> memref<1024x32xf32, #tpu.memory_space<vmem>>
    tpu.enqueue_dma source(%dma_start3A_132 : memref<1024x32xf32, #tpu.memory_space<vmem>>) target(%dma_start3A_128 : memref<1024x32xf32, #tpu.memory_space<any>>) target_semaphore(%dma_start3A_126 : memref<!tpu.dma_semaphore, #tpu.memory_space<semaphore_mem>>)
    %eq3A_133 = arith.constant 122 : i32
    %eq3A_134 = arith.cmpi eq, %arg0, %eq3A_133 : i32
    %convert_element_type3A_135 = arith.extui %eq3A_134 : i1 to i32
    %cond3A_136 = arith.constant 0 : i32
    %cond3A_137 = arith.cmpi ne, %convert_element_type3A_135, %cond3A_136 : i32
    scf.if %cond3A_137 {
      %dma_wait3A = arith.constant 1 : i32
      %dma_wait3A_138 = arith.constant 1 : i32
      %dma_wait3A_139 = arith.constant 0 : i32
      %dma_wait3A_140 = tpu.memref_slice %arg7[%dma_wait3A_138, %dma_wait3A_139] : memref<2x8x!tpu.dma_semaphore, #tpu.memory_space<semaphore_mem>> -> memref<1x1x!tpu.dma_semaphore, #tpu.memory_space<semaphore_mem>>
      %dma_wait3A_141 = tpu.memref_squeeze %dma_wait3A_140 : memref<1x1x!tpu.dma_semaphore, #tpu.memory_space<semaphore_mem>> -> memref<!tpu.dma_semaphore, #tpu.memory_space<semaphore_mem>>
      %dma_wait3A_142 = arith.constant 991232 : i32
      %dma_wait3A_143 = arith.constant 0 : i32
      %dma_wait3A_144 = tpu.memref_slice %arg3[%dma_wait3A_142, %dma_wait3A_143] : memref<1007616x32xf32, #tpu.memory_space<any>> -> memref<1024x32xf32, #tpu.memory_space<any>>
      %dma_wait3A_145 = arith.constant 0 : i32
      %dma_wait3A_146 = arith.constant 0 : i32
      %dma_wait3A_147 = tpu.memref_slice %arg5[%dma_wait3A, %dma_wait3A_145, %dma_wait3A_146] : memref<2x8192x32xf32, #tpu.memory_space<vmem>> -> memref<1x1024x32xf32, #tpu.memory_space<vmem>>
      %dma_wait3A_148 = tpu.memref_squeeze %dma_wait3A_147 : memref<1x1024x32xf32, #tpu.memory_space<vmem>> -> memref<1024x32xf32, #tpu.memory_space<vmem>>
      tpu.wait_dma2 semaphore(%dma_wait3A_141 : memref<!tpu.dma_semaphore, #tpu.memory_space<semaphore_mem>>) src(%dma_wait3A_148 : memref<1024x32xf32, #tpu.memory_space<vmem>>) dst(%dma_wait3A_144 : memref<1024x32xf32, #tpu.memory_space<any>>)
      %dma_wait3A_149 = arith.constant 1 : i32
      %dma_wait3A_150 = arith.constant 1 : i32
      %dma_wait3A_151 = arith.constant 1 : i32
      %dma_wait3A_152 = tpu.memref_slice %arg7[%dma_wait3A_150, %dma_wait3A_151] : memref<2x8x!tpu.dma_semaphore, #tpu.memory_space<semaphore_mem>> -> memref<1x1x!tpu.dma_semaphore, #tpu.memory_space<semaphore_mem>>
      %dma_wait3A_153 = tpu.memref_squeeze %dma_wait3A_152 : memref<1x1x!tpu.dma_semaphore, #tpu.memory_space<semaphore_mem>> -> memref<!tpu.dma_semaphore, #tpu.memory_space<semaphore_mem>>
      %dma_wait3A_154 = arith.constant 992256 : i32
      %dma_wait3A_155 = arith.constant 0 : i32
      %dma_wait3A_156 = tpu.memref_slice %arg3[%dma_wait3A_154, %dma_wait3A_155] : memref<1007616x32xf32, #tpu.memory_space<any>> -> memref<1024x32xf32, #tpu.memory_space<any>>
      %dma_wait3A_157 = arith.constant 1024 : i32
      %dma_wait3A_158 = arith.constant 0 : i32
      %dma_wait3A_159 = tpu.memref_slice %arg5[%dma_wait3A_149, %dma_wait3A_157, %dma_wait3A_158] : memref<2x8192x32xf32, #tpu.memory_space<vmem>> -> memref<1x1024x32xf32, #tpu.memory_space<vmem>>
      %dma_wait3A_160 = tpu.memref_squeeze %dma_wait3A_159 : memref<1x1024x32xf32, #tpu.memory_space<vmem>> -> memref<1024x32xf32, #tpu.memory_space<vmem>>
      tpu.wait_dma2 semaphore(%dma_wait3A_153 : memref<!tpu.dma_semaphore, #tpu.memory_space<semaphore_mem>>) src(%dma_wait3A_160 : memref<1024x32xf32, #tpu.memory_space<vmem>>) dst(%dma_wait3A_156 : memref<1024x32xf32, #tpu.memory_space<any>>)
      %dma_wait3A_161 = arith.constant 1 : i32
      %dma_wait3A_162 = arith.constant 1 : i32
      %dma_wait3A_163 = arith.constant 2 : i32
      %dma_wait3A_164 = tpu.memref_slice %arg7[%dma_wait3A_162, %dma_wait3A_163] : memref<2x8x!tpu.dma_semaphore, #tpu.memory_space<semaphore_mem>> -> memref<1x1x!tpu.dma_semaphore, #tpu.memory_space<semaphore_mem>>
      %dma_wait3A_165 = tpu.memref_squeeze %dma_wait3A_164 : memref<1x1x!tpu.dma_semaphore, #tpu.memory_space<semaphore_mem>> -> memref<!tpu.dma_semaphore, #tpu.memory_space<semaphore_mem>>
      %dma_wait3A_166 = arith.constant 993280 : i32
      %dma_wait3A_167 = arith.constant 0 : i32
      %dma_wait3A_168 = tpu.memref_slice %arg3[%dma_wait3A_166, %dma_wait3A_167] : memref<1007616x32xf32, #tpu.memory_space<any>> -> memref<1024x32xf32, #tpu.memory_space<any>>
      %dma_wait3A_169 = arith.constant 2048 : i32
      %dma_wait3A_170 = arith.constant 0 : i32
      %dma_wait3A_171 = tpu.memref_slice %arg5[%dma_wait3A_161, %dma_wait3A_169, %dma_wait3A_170] : memref<2x8192x32xf32, #tpu.memory_space<vmem>> -> memref<1x1024x32xf32, #tpu.memory_space<vmem>>
      %dma_wait3A_172 = tpu.memref_squeeze %dma_wait3A_171 : memref<1x1024x32xf32, #tpu.memory_space<vmem>> -> memref<1024x32xf32, #tpu.memory_space<vmem>>
      tpu.wait_dma2 semaphore(%dma_wait3A_165 : memref<!tpu.dma_semaphore, #tpu.memory_space<semaphore_mem>>) src(%dma_wait3A_172 : memref<1024x32xf32, #tpu.memory_space<vmem>>) dst(%dma_wait3A_168 : memref<1024x32xf32, #tpu.memory_space<any>>)
      %dma_wait3A_173 = arith.constant 1 : i32
      %dma_wait3A_174 = arith.constant 1 : i32
      %dma_wait3A_175 = arith.constant 3 : i32
      %dma_wait3A_176 = tpu.memref_slice %arg7[%dma_wait3A_174, %dma_wait3A_175] : memref<2x8x!tpu.dma_semaphore, #tpu.memory_space<semaphore_mem>> -> memref<1x1x!tpu.dma_semaphore, #tpu.memory_space<semaphore_mem>>
      %dma_wait3A_177 = tpu.memref_squeeze %dma_wait3A_176 : memref<1x1x!tpu.dma_semaphore, #tpu.memory_space<semaphore_mem>> -> memref<!tpu.dma_semaphore, #tpu.memory_space<semaphore_mem>>
      %dma_wait3A_178 = arith.constant 994304 : i32
      %dma_wait3A_179 = arith.constant 0 : i32
      %dma_wait3A_180 = tpu.memref_slice %arg3[%dma_wait3A_178, %dma_wait3A_179] : memref<1007616x32xf32, #tpu.memory_space<any>> -> memref<1024x32xf32, #tpu.memory_space<any>>
      %dma_wait3A_181 = arith.constant 3072 : i32
      %dma_wait3A_182 = arith.constant 0 : i32
      %dma_wait3A_183 = tpu.memref_slice %arg5[%dma_wait3A_173, %dma_wait3A_181, %dma_wait3A_182] : memref<2x8192x32xf32, #tpu.memory_space<vmem>> -> memref<1x1024x32xf32, #tpu.memory_space<vmem>>
      %dma_wait3A_184 = tpu.memref_squeeze %dma_wait3A_183 : memref<1x1024x32xf32, #tpu.memory_space<vmem>> -> memref<1024x32xf32, #tpu.memory_space<vmem>>
      tpu.wait_dma2 semaphore(%dma_wait3A_177 : memref<!tpu.dma_semaphore, #tpu.memory_space<semaphore_mem>>) src(%dma_wait3A_184 : memref<1024x32xf32, #tpu.memory_space<vmem>>) dst(%dma_wait3A_180 : memref<1024x32xf32, #tpu.memory_space<any>>)
      %dma_wait3A_185 = arith.constant 1 : i32
      %dma_wait3A_186 = arith.constant 1 : i32
      %dma_wait3A_187 = arith.constant 4 : i32
      %dma_wait3A_188 = tpu.memref_slice %arg7[%dma_wait3A_186, %dma_wait3A_187] : memref<2x8x!tpu.dma_semaphore, #tpu.memory_space<semaphore_mem>> -> memref<1x1x!tpu.dma_semaphore, #tpu.memory_space<semaphore_mem>>
      %dma_wait3A_189 = tpu.memref_squeeze %dma_wait3A_188 : memref<1x1x!tpu.dma_semaphore, #tpu.memory_space<semaphore_mem>> -> memref<!tpu.dma_semaphore, #tpu.memory_space<semaphore_mem>>
      %dma_wait3A_190 = arith.constant 995328 : i32
      %dma_wait3A_191 = arith.constant 0 : i32
      %dma_wait3A_192 = tpu.memref_slice %arg3[%dma_wait3A_190, %dma_wait3A_191] : memref<1007616x32xf32, #tpu.memory_space<any>> -> memref<1024x32xf32, #tpu.memory_space<any>>
      %dma_wait3A_193 = arith.constant 4096 : i32
      %dma_wait3A_194 = arith.constant 0 : i32
      %dma_wait3A_195 = tpu.memref_slice %arg5[%dma_wait3A_185, %dma_wait3A_193, %dma_wait3A_194] : memref<2x8192x32xf32, #tpu.memory_space<vmem>> -> memref<1x1024x32xf32, #tpu.memory_space<vmem>>
      %dma_wait3A_196 = tpu.memref_squeeze %dma_wait3A_195 : memref<1x1024x32xf32, #tpu.memory_space<vmem>> -> memref<1024x32xf32, #tpu.memory_space<vmem>>
      tpu.wait_dma2 semaphore(%dma_wait3A_189 : memref<!tpu.dma_semaphore, #tpu.memory_space<semaphore_mem>>) src(%dma_wait3A_196 : memref<1024x32xf32, #tpu.memory_space<vmem>>) dst(%dma_wait3A_192 : memref<1024x32xf32, #tpu.memory_space<any>>)
      %dma_wait3A_197 = arith.constant 1 : i32
      %dma_wait3A_198 = arith.constant 1 : i32
      %dma_wait3A_199 = arith.constant 5 : i32
      %dma_wait3A_200 = tpu.memref_slice %arg7[%dma_wait3A_198, %dma_wait3A_199] : memref<2x8x!tpu.dma_semaphore, #tpu.memory_space<semaphore_mem>> -> memref<1x1x!tpu.dma_semaphore, #tpu.memory_space<semaphore_mem>>
      %dma_wait3A_201 = tpu.memref_squeeze %dma_wait3A_200 : memref<1x1x!tpu.dma_semaphore, #tpu.memory_space<semaphore_mem>> -> memref<!tpu.dma_semaphore, #tpu.memory_space<semaphore_mem>>
      %dma_wait3A_202 = arith.constant 996352 : i32
      %dma_wait3A_203 = arith.constant 0 : i32
      %dma_wait3A_204 = tpu.memref_slice %arg3[%dma_wait3A_202, %dma_wait3A_203] : memref<1007616x32xf32, #tpu.memory_space<any>> -> memref<1024x32xf32, #tpu.memory_space<any>>
      %dma_wait3A_205 = arith.constant 5120 : i32
      %dma_wait3A_206 = arith.constant 0 : i32
      %dma_wait3A_207 = tpu.memref_slice %arg5[%dma_wait3A_197, %dma_wait3A_205, %dma_wait3A_206] : memref<2x8192x32xf32, #tpu.memory_space<vmem>> -> memref<1x1024x32xf32, #tpu.memory_space<vmem>>
      %dma_wait3A_208 = tpu.memref_squeeze %dma_wait3A_207 : memref<1x1024x32xf32, #tpu.memory_space<vmem>> -> memref<1024x32xf32, #tpu.memory_space<vmem>>
      tpu.wait_dma2 semaphore(%dma_wait3A_201 : memref<!tpu.dma_semaphore, #tpu.memory_space<semaphore_mem>>) src(%dma_wait3A_208 : memref<1024x32xf32, #tpu.memory_space<vmem>>) dst(%dma_wait3A_204 : memref<1024x32xf32, #tpu.memory_space<any>>)
      %dma_wait3A_209 = arith.constant 1 : i32
      %dma_wait3A_210 = arith.constant 1 : i32
      %dma_wait3A_211 = arith.constant 6 : i32
      %dma_wait3A_212 = tpu.memref_slice %arg7[%dma_wait3A_210, %dma_wait3A_211] : memref<2x8x!tpu.dma_semaphore, #tpu.memory_space<semaphore_mem>> -> memref<1x1x!tpu.dma_semaphore, #tpu.memory_space<semaphore_mem>>
      %dma_wait3A_213 = tpu.memref_squeeze %dma_wait3A_212 : memref<1x1x!tpu.dma_semaphore, #tpu.memory_space<semaphore_mem>> -> memref<!tpu.dma_semaphore, #tpu.memory_space<semaphore_mem>>
      %dma_wait3A_214 = arith.constant 997376 : i32
      %dma_wait3A_215 = arith.constant 0 : i32
      %dma_wait3A_216 = tpu.memref_slice %arg3[%dma_wait3A_214, %dma_wait3A_215] : memref<1007616x32xf32, #tpu.memory_space<any>> -> memref<1024x32xf32, #tpu.memory_space<any>>
      %dma_wait3A_217 = arith.constant 6144 : i32
      %dma_wait3A_218 = arith.constant 0 : i32
      %dma_wait3A_219 = tpu.memref_slice %arg5[%dma_wait3A_209, %dma_wait3A_217, %dma_wait3A_218] : memref<2x8192x32xf32, #tpu.memory_space<vmem>> -> memref<1x1024x32xf32, #tpu.memory_space<vmem>>
      %dma_wait3A_220 = tpu.memref_squeeze %dma_wait3A_219 : memref<1x1024x32xf32, #tpu.memory_space<vmem>> -> memref<1024x32xf32, #tpu.memory_space<vmem>>
      tpu.wait_dma2 semaphore(%dma_wait3A_213 : memref<!tpu.dma_semaphore, #tpu.memory_space<semaphore_mem>>) src(%dma_wait3A_220 : memref<1024x32xf32, #tpu.memory_space<vmem>>) dst(%dma_wait3A_216 : memref<1024x32xf32, #tpu.memory_space<any>>)
      %dma_wait3A_221 = arith.constant 1 : i32
      %dma_wait3A_222 = arith.constant 1 : i32
      %dma_wait3A_223 = arith.constant 7 : i32
      %dma_wait3A_224 = tpu.memref_slice %arg7[%dma_wait3A_222, %dma_wait3A_223] : memref<2x8x!tpu.dma_semaphore, #tpu.memory_space<semaphore_mem>> -> memref<1x1x!tpu.dma_semaphore, #tpu.memory_space<semaphore_mem>>
      %dma_wait3A_225 = tpu.memref_squeeze %dma_wait3A_224 : memref<1x1x!tpu.dma_semaphore, #tpu.memory_space<semaphore_mem>> -> memref<!tpu.dma_semaphore, #tpu.memory_space<semaphore_mem>>
      %dma_wait3A_226 = arith.constant 998400 : i32
      %dma_wait3A_227 = arith.constant 0 : i32
      %dma_wait3A_228 = tpu.memref_slice %arg3[%dma_wait3A_226, %dma_wait3A_227] : memref<1007616x32xf32, #tpu.memory_space<any>> -> memref<1024x32xf32, #tpu.memory_space<any>>
      %dma_wait3A_229 = arith.constant 7168 : i32
      %dma_wait3A_230 = arith.constant 0 : i32
      %dma_wait3A_231 = tpu.memref_slice %arg5[%dma_wait3A_221, %dma_wait3A_229, %dma_wait3A_230] : memref<2x8192x32xf32, #tpu.memory_space<vmem>> -> memref<1x1024x32xf32, #tpu.memory_space<vmem>>
      %dma_wait3A_232 = tpu.memref_squeeze %dma_wait3A_231 : memref<1x1024x32xf32, #tpu.memory_space<vmem>> -> memref<1024x32xf32, #tpu.memory_space<vmem>>
      tpu.wait_dma2 semaphore(%dma_wait3A_225 : memref<!tpu.dma_semaphore, #tpu.memory_space<semaphore_mem>>) src(%dma_wait3A_232 : memref<1024x32xf32, #tpu.memory_space<vmem>>) dst(%dma_wait3A_228 : memref<1024x32xf32, #tpu.memory_space<any>>)
      %dma_wait3A_233 = arith.constant 0 : i32
      %dma_wait3A_234 = arith.constant 0 : i32
      %dma_wait3A_235 = arith.constant 0 : i32
      %dma_wait3A_236 = tpu.memref_slice %arg7[%dma_wait3A_234, %dma_wait3A_235] : memref<2x8x!tpu.dma_semaphore, #tpu.memory_space<semaphore_mem>> -> memref<1x1x!tpu.dma_semaphore, #tpu.memory_space<semaphore_mem>>
      %dma_wait3A_237 = tpu.memref_squeeze %dma_wait3A_236 : memref<1x1x!tpu.dma_semaphore, #tpu.memory_space<semaphore_mem>> -> memref<!tpu.dma_semaphore, #tpu.memory_space<semaphore_mem>>
      %dma_wait3A_238 = arith.constant 999424 : i32
      %dma_wait3A_239 = arith.constant 0 : i32
      %dma_wait3A_240 = tpu.memref_slice %arg3[%dma_wait3A_238, %dma_wait3A_239] : memref<1007616x32xf32, #tpu.memory_space<any>> -> memref<1024x32xf32, #tpu.memory_space<any>>
      %dma_wait3A_241 = arith.constant 0 : i32
      %dma_wait3A_242 = arith.constant 0 : i32
      %dma_wait3A_243 = tpu.memref_slice %arg5[%dma_wait3A_233, %dma_wait3A_241, %dma_wait3A_242] : memref<2x8192x32xf32, #tpu.memory_space<vmem>> -> memref<1x1024x32xf32, #tpu.memory_space<vmem>>
      %dma_wait3A_244 = tpu.memref_squeeze %dma_wait3A_243 : memref<1x1024x32xf32, #tpu.memory_space<vmem>> -> memref<1024x32xf32, #tpu.memory_space<vmem>>
      tpu.wait_dma2 semaphore(%dma_wait3A_237 : memref<!tpu.dma_semaphore, #tpu.memory_space<semaphore_mem>>) src(%dma_wait3A_244 : memref<1024x32xf32, #tpu.memory_space<vmem>>) dst(%dma_wait3A_240 : memref<1024x32xf32, #tpu.memory_space<any>>)
      %dma_wait3A_245 = arith.constant 0 : i32
      %dma_wait3A_246 = arith.constant 0 : i32
      %dma_wait3A_247 = arith.constant 1 : i32
      %dma_wait3A_248 = tpu.memref_slice %arg7[%dma_wait3A_246, %dma_wait3A_247] : memref<2x8x!tpu.dma_semaphore, #tpu.memory_space<semaphore_mem>> -> memref<1x1x!tpu.dma_semaphore, #tpu.memory_space<semaphore_mem>>
      %dma_wait3A_249 = tpu.memref_squeeze %dma_wait3A_248 : memref<1x1x!tpu.dma_semaphore, #tpu.memory_space<semaphore_mem>> -> memref<!tpu.dma_semaphore, #tpu.memory_space<semaphore_mem>>
      %dma_wait3A_250 = arith.constant 1000448 : i32
      %dma_wait3A_251 = arith.constant 0 : i32
      %dma_wait3A_252 = tpu.memref_slice %arg3[%dma_wait3A_250, %dma_wait3A_251] : memref<1007616x32xf32, #tpu.memory_space<any>> -> memref<1024x32xf32, #tpu.memory_space<any>>
      %dma_wait3A_253 = arith.constant 1024 : i32
      %dma_wait3A_254 = arith.constant 0 : i32
      %dma_wait3A_255 = tpu.memref_slice %arg5[%dma_wait3A_245, %dma_wait3A_253, %dma_wait3A_254] : memref<2x8192x32xf32, #tpu.memory_space<vmem>> -> memref<1x1024x32xf32, #tpu.memory_space<vmem>>
      %dma_wait3A_256 = tpu.memref_squeeze %dma_wait3A_255 : memref<1x1024x32xf32, #tpu.memory_space<vmem>> -> memref<1024x32xf32, #tpu.memory_space<vmem>>
      tpu.wait_dma2 semaphore(%dma_wait3A_249 : memref<!tpu.dma_semaphore, #tpu.memory_space<semaphore_mem>>) src(%dma_wait3A_256 : memref<1024x32xf32, #tpu.memory_space<vmem>>) dst(%dma_wait3A_252 : memref<1024x32xf32, #tpu.memory_space<any>>)
      %dma_wait3A_257 = arith.constant 0 : i32
      %dma_wait3A_258 = arith.constant 0 : i32
      %dma_wait3A_259 = arith.constant 2 : i32
      %dma_wait3A_260 = tpu.memref_slice %arg7[%dma_wait3A_258, %dma_wait3A_259] : memref<2x8x!tpu.dma_semaphore, #tpu.memory_space<semaphore_mem>> -> memref<1x1x!tpu.dma_semaphore, #tpu.memory_space<semaphore_mem>>
      %dma_wait3A_261 = tpu.memref_squeeze %dma_wait3A_260 : memref<1x1x!tpu.dma_semaphore, #tpu.memory_space<semaphore_mem>> -> memref<!tpu.dma_semaphore, #tpu.memory_space<semaphore_mem>>
      %dma_wait3A_262 = arith.constant 1001472 : i32
      %dma_wait3A_263 = arith.constant 0 : i32
      %dma_wait3A_264 = tpu.memref_slice %arg3[%dma_wait3A_262, %dma_wait3A_263] : memref<1007616x32xf32, #tpu.memory_space<any>> -> memref<1024x32xf32, #tpu.memory_space<any>>
      %dma_wait3A_265 = arith.constant 2048 : i32
      %dma_wait3A_266 = arith.constant 0 : i32
      %dma_wait3A_267 = tpu.memref_slice %arg5[%dma_wait3A_257, %dma_wait3A_265, %dma_wait3A_266] : memref<2x8192x32xf32, #tpu.memory_space<vmem>> -> memref<1x1024x32xf32, #tpu.memory_space<vmem>>
      %dma_wait3A_268 = tpu.memref_squeeze %dma_wait3A_267 : memref<1x1024x32xf32, #tpu.memory_space<vmem>> -> memref<1024x32xf32, #tpu.memory_space<vmem>>
      tpu.wait_dma2 semaphore(%dma_wait3A_261 : memref<!tpu.dma_semaphore, #tpu.memory_space<semaphore_mem>>) src(%dma_wait3A_268 : memref<1024x32xf32, #tpu.memory_space<vmem>>) dst(%dma_wait3A_264 : memref<1024x32xf32, #tpu.memory_space<any>>)
      %dma_wait3A_269 = arith.constant 0 : i32
      %dma_wait3A_270 = arith.constant 0 : i32
      %dma_wait3A_271 = arith.constant 3 : i32
      %dma_wait3A_272 = tpu.memref_slice %arg7[%dma_wait3A_270, %dma_wait3A_271] : memref<2x8x!tpu.dma_semaphore, #tpu.memory_space<semaphore_mem>> -> memref<1x1x!tpu.dma_semaphore, #tpu.memory_space<semaphore_mem>>
      %dma_wait3A_273 = tpu.memref_squeeze %dma_wait3A_272 : memref<1x1x!tpu.dma_semaphore, #tpu.memory_space<semaphore_mem>> -> memref<!tpu.dma_semaphore, #tpu.memory_space<semaphore_mem>>
      %dma_wait3A_274 = arith.constant 1002496 : i32
      %dma_wait3A_275 = arith.constant 0 : i32
      %dma_wait3A_276 = tpu.memref_slice %arg3[%dma_wait3A_274, %dma_wait3A_275] : memref<1007616x32xf32, #tpu.memory_space<any>> -> memref<1024x32xf32, #tpu.memory_space<any>>
      %dma_wait3A_277 = arith.constant 3072 : i32
      %dma_wait3A_278 = arith.constant 0 : i32
      %dma_wait3A_279 = tpu.memref_slice %arg5[%dma_wait3A_269, %dma_wait3A_277, %dma_wait3A_278] : memref<2x8192x32xf32, #tpu.memory_space<vmem>> -> memref<1x1024x32xf32, #tpu.memory_space<vmem>>
      %dma_wait3A_280 = tpu.memref_squeeze %dma_wait3A_279 : memref<1x1024x32xf32, #tpu.memory_space<vmem>> -> memref<1024x32xf32, #tpu.memory_space<vmem>>
      tpu.wait_dma2 semaphore(%dma_wait3A_273 : memref<!tpu.dma_semaphore, #tpu.memory_space<semaphore_mem>>) src(%dma_wait3A_280 : memref<1024x32xf32, #tpu.memory_space<vmem>>) dst(%dma_wait3A_276 : memref<1024x32xf32, #tpu.memory_space<any>>)
      %dma_wait3A_281 = arith.constant 0 : i32
      %dma_wait3A_282 = arith.constant 0 : i32
      %dma_wait3A_283 = arith.constant 4 : i32
      %dma_wait3A_284 = tpu.memref_slice %arg7[%dma_wait3A_282, %dma_wait3A_283] : memref<2x8x!tpu.dma_semaphore, #tpu.memory_space<semaphore_mem>> -> memref<1x1x!tpu.dma_semaphore, #tpu.memory_space<semaphore_mem>>
      %dma_wait3A_285 = tpu.memref_squeeze %dma_wait3A_284 : memref<1x1x!tpu.dma_semaphore, #tpu.memory_space<semaphore_mem>> -> memref<!tpu.dma_semaphore, #tpu.memory_space<semaphore_mem>>
      %dma_wait3A_286 = arith.constant 1003520 : i32
      %dma_wait3A_287 = arith.constant 0 : i32
      %dma_wait3A_288 = tpu.memref_slice %arg3[%dma_wait3A_286, %dma_wait3A_287] : memref<1007616x32xf32, #tpu.memory_space<any>> -> memref<1024x32xf32, #tpu.memory_space<any>>
      %dma_wait3A_289 = arith.constant 4096 : i32
      %dma_wait3A_290 = arith.constant 0 : i32
      %dma_wait3A_291 = tpu.memref_slice %arg5[%dma_wait3A_281, %dma_wait3A_289, %dma_wait3A_290] : memref<2x8192x32xf32, #tpu.memory_space<vmem>> -> memref<1x1024x32xf32, #tpu.memory_space<vmem>>
      %dma_wait3A_292 = tpu.memref_squeeze %dma_wait3A_291 : memref<1x1024x32xf32, #tpu.memory_space<vmem>> -> memref<1024x32xf32, #tpu.memory_space<vmem>>
      tpu.wait_dma2 semaphore(%dma_wait3A_285 : memref<!tpu.dma_semaphore, #tpu.memory_space<semaphore_mem>>) src(%dma_wait3A_292 : memref<1024x32xf32, #tpu.memory_space<vmem>>) dst(%dma_wait3A_288 : memref<1024x32xf32, #tpu.memory_space<any>>)
      %dma_wait3A_293 = arith.constant 0 : i32
      %dma_wait3A_294 = arith.constant 0 : i32
      %dma_wait3A_295 = arith.constant 5 : i32
      %dma_wait3A_296 = tpu.memref_slice %arg7[%dma_wait3A_294, %dma_wait3A_295] : memref<2x8x!tpu.dma_semaphore, #tpu.memory_space<semaphore_mem>> -> memref<1x1x!tpu.dma_semaphore, #tpu.memory_space<semaphore_mem>>
      %dma_wait3A_297 = tpu.memref_squeeze %dma_wait3A_296 : memref<1x1x!tpu.dma_semaphore, #tpu.memory_space<semaphore_mem>> -> memref<!tpu.dma_semaphore, #tpu.memory_space<semaphore_mem>>
      %dma_wait3A_298 = arith.constant 1004544 : i32
      %dma_wait3A_299 = arith.constant 0 : i32
      %dma_wait3A_300 = tpu.memref_slice %arg3[%dma_wait3A_298, %dma_wait3A_299] : memref<1007616x32xf32, #tpu.memory_space<any>> -> memref<1024x32xf32, #tpu.memory_space<any>>
      %dma_wait3A_301 = arith.constant 5120 : i32
      %dma_wait3A_302 = arith.constant 0 : i32
      %dma_wait3A_303 = tpu.memref_slice %arg5[%dma_wait3A_293, %dma_wait3A_301, %dma_wait3A_302] : memref<2x8192x32xf32, #tpu.memory_space<vmem>> -> memref<1x1024x32xf32, #tpu.memory_space<vmem>>
      %dma_wait3A_304 = tpu.memref_squeeze %dma_wait3A_303 : memref<1x1024x32xf32, #tpu.memory_space<vmem>> -> memref<1024x32xf32, #tpu.memory_space<vmem>>
      tpu.wait_dma2 semaphore(%dma_wait3A_297 : memref<!tpu.dma_semaphore, #tpu.memory_space<semaphore_mem>>) src(%dma_wait3A_304 : memref<1024x32xf32, #tpu.memory_space<vmem>>) dst(%dma_wait3A_300 : memref<1024x32xf32, #tpu.memory_space<any>>)
      %dma_wait3A_305 = arith.constant 0 : i32
      %dma_wait3A_306 = arith.constant 0 : i32
      %dma_wait3A_307 = arith.constant 6 : i32
      %dma_wait3A_308 = tpu.memref_slice %arg7[%dma_wait3A_306, %dma_wait3A_307] : memref<2x8x!tpu.dma_semaphore, #tpu.memory_space<semaphore_mem>> -> memref<1x1x!tpu.dma_semaphore, #tpu.memory_space<semaphore_mem>>
      %dma_wait3A_309 = tpu.memref_squeeze %dma_wait3A_308 : memref<1x1x!tpu.dma_semaphore, #tpu.memory_space<semaphore_mem>> -> memref<!tpu.dma_semaphore, #tpu.memory_space<semaphore_mem>>
      %dma_wait3A_310 = arith.constant 1005568 : i32
      %dma_wait3A_311 = arith.constant 0 : i32
      %dma_wait3A_312 = tpu.memref_slice %arg3[%dma_wait3A_310, %dma_wait3A_311] : memref<1007616x32xf32, #tpu.memory_space<any>> -> memref<1024x32xf32, #tpu.memory_space<any>>
      %dma_wait3A_313 = arith.constant 6144 : i32
      %dma_wait3A_314 = arith.constant 0 : i32
      %dma_wait3A_315 = tpu.memref_slice %arg5[%dma_wait3A_305, %dma_wait3A_313, %dma_wait3A_314] : memref<2x8192x32xf32, #tpu.memory_space<vmem>> -> memref<1x1024x32xf32, #tpu.memory_space<vmem>>
      %dma_wait3A_316 = tpu.memref_squeeze %dma_wait3A_315 : memref<1x1024x32xf32, #tpu.memory_space<vmem>> -> memref<1024x32xf32, #tpu.memory_space<vmem>>
      tpu.wait_dma2 semaphore(%dma_wait3A_309 : memref<!tpu.dma_semaphore, #tpu.memory_space<semaphore_mem>>) src(%dma_wait3A_316 : memref<1024x32xf32, #tpu.memory_space<vmem>>) dst(%dma_wait3A_312 : memref<1024x32xf32, #tpu.memory_space<any>>)
      %dma_wait3A_317 = arith.constant 0 : i32
      %dma_wait3A_318 = arith.constant 0 : i32
      %dma_wait3A_319 = arith.constant 7 : i32
      %dma_wait3A_320 = tpu.memref_slice %arg7[%dma_wait3A_318, %dma_wait3A_319] : memref<2x8x!tpu.dma_semaphore, #tpu.memory_space<semaphore_mem>> -> memref<1x1x!tpu.dma_semaphore, #tpu.memory_space<semaphore_mem>>
      %dma_wait3A_321 = tpu.memref_squeeze %dma_wait3A_320 : memref<1x1x!tpu.dma_semaphore, #tpu.memory_space<semaphore_mem>> -> memref<!tpu.dma_semaphore, #tpu.memory_space<semaphore_mem>>
      %dma_wait3A_322 = arith.constant 1006592 : i32
      %dma_wait3A_323 = arith.constant 0 : i32
      %dma_wait3A_324 = tpu.memref_slice %arg3[%dma_wait3A_322, %dma_wait3A_323] : memref<1007616x32xf32, #tpu.memory_space<any>> -> memref<1024x32xf32, #tpu.memory_space<any>>
      %dma_wait3A_325 = arith.constant 7168 : i32
      %dma_wait3A_326 = arith.constant 0 : i32
      %dma_wait3A_327 = tpu.memref_slice %arg5[%dma_wait3A_317, %dma_wait3A_325, %dma_wait3A_326] : memref<2x8192x32xf32, #tpu.memory_space<vmem>> -> memref<1x1024x32xf32, #tpu.memory_space<vmem>>
      %dma_wait3A_328 = tpu.memref_squeeze %dma_wait3A_327 : memref<1x1024x32xf32, #tpu.memory_space<vmem>> -> memref<1024x32xf32, #tpu.memory_space<vmem>>
      tpu.wait_dma2 semaphore(%dma_wait3A_321 : memref<!tpu.dma_semaphore, #tpu.memory_space<semaphore_mem>>) src(%dma_wait3A_328 : memref<1024x32xf32, #tpu.memory_space<vmem>>) dst(%dma_wait3A_324 : memref<1024x32xf32, #tpu.memory_space<any>>)
    } else {
    }
    return
  }
  func.func @transform_1(%arg0: i32) -> (i32, i32) {
    %c0_i32 = arith.constant 0 : i32
    %c0_i32_0 = arith.constant 0 : i32
    %c0_i32_1 = arith.constant 0 : i32
    return %c0_i32, %c0_i32_0 : i32, i32
  }
}

</mosaic_0001>

<sc_bundles>
// kernel: kernel.5.cloned.1.call-start
scs
__scs_entry_jumppad:
0x0: {  	(pc) =	sbr.rel $0x88, $3  }
0x1: {  	(tag) =	ssettag $0x0;
	lr =	simm.s32 $0x1  }
0x2: {  	[smem:$0x3F99] =	sst lr;
	_ =	strace $0xD0000000  }
0x3: {  	_ = 	snop  }
0x4: {  	_ = 	snop  }
0x5: {  	_ = 	snop  }
0x6: {  	_ = 	snop  }
0x7: {  	_ = 	snop  }
__scs_overlays_trampoline_lowered:
0x8: {  	[smem:$0x3FA8] =	sst s0  }
0x9: {  	[smem:$0x3FA9] =	sst s1  }
0xa: {  	[smem:$0x3FAA] =	sst s2  }
0xb: {  	[smem:$0x3FAB] =	sst s3  }
0xc: {  	[smem:$0x3FAC] =	sst s4  }
0xd: {  	[smem:$0x3FAD] =	sst s5  }
0xe: {  	[smem:$0x3FAE] =	sst s6  }
0xf: {  	[smem:$0x3FAF] =	sst s7  }
0x10: {  	[smem:$0x3FB0] =	sst s8  }
0x11: {  	[smem:$0x3FB1] =	sst s9;
	s0 =	simm.s32 @!p0 $0x0  }
0x12: {  	s1 =	sld [smem:$0x3F97];
	s0 =	simm.s32 @p0 $0x1  }
0x13: {  	[smem:$0x3FB2] =	sst s0;
	s0 =	simm.s32 @!p1 $0x0  }
0x14: {  	s2 =	sld [smem:$0x3F96];
	s0 =	simm.s32 @p1 $0x1  }
0x15: {  	[smem:$0x3FB3] =	sst s0;
	s0 =	simm.s32 @!p2 $0x0  }
0x16: {  	s3 =	sld [smem:$0x3FDB];
	s0 =	simm.s32 @p2 $0x1  }
0x17: {  	s4 =	simm.s32 $0x1BF5;
	[smem:$0x3FB5] =	sst s0  }
0x18: {  	s0 =	sld [smem:$0x3F98];
	_ =	swait.ge [sflag:s4], $0x0  }
0x19: {  	s7 =	sld [smem:$0x3F99]  }
0x1a: {  	s8 =	sadd.s32 $0xFFFFE003, lr  }
0x1b: {  	s9 =	sadd.s32 $0xFFFFFEF7, lr;
	s5 =	simm.s32 $0xFFFFFFFF;
	p2 =	slt.u32 s8, $0xFFFFF086  }
0x1c: {  	p1 =	slt.u32 s9, $0xF7A;
	s5 =	simm.s32 @!p2 $0x0  }
0x1d: {  	s5 =	simm.s32 @p1 $0x1;
	p0 =	seq.s32 s7, s2  }
0x1e: {  	s7 =	smul.u32 @!p0 $0xF7A, s2;
	p2 =	seq.s32 @!p0 s5, $0x0  }
0x1f: {  	s9 =	smul.u32 $0xF7A, s1;
	s8 =	simm.s32 @!p0 $0x1BF5;
	p2 =	por !p2, p0  }
0x20: {  	[sflag:s8] =	ssyncset.s32 @!p0 $0xFFFFF086;
	s6 =	sadd.s32 @!p0 s3, s7;
	s7 =	simm.s32 @!p0 $0x108  }
0x21: {  	s3 =	sadd.s32 s3, s9;
	s6 =	sadd.s32 @!p0 $0x88, s6;
	s7 =	simm.s32 @p2 $0x1082  }
0x22: {  	[simem:s7], [sflag:s8] =	dma.local @!p0 [hbm:s6], $0xF7A  }
0x23: {  	s9 =	sor.u32 $0xD0000000, s2;
	s6 =	simm.s32 $0x108;
	_ =	swait.ge @!p0 [sflag:s8], $0x0  }
0x24: {  	s3 =	sadd.s32 $0x88, s3;
	s6 =	simm.s32 @!p1 $0x1082;
	[sflag:s4] =	ssyncset.s32 $0xFFFFF086  }
0x25: {  	[simem:s6], [sflag:s4] =	dma.local [hbm:s3], $0xF7A  }
0x26: {  	[smem:$0x3F99] =	sst s1;
	(tag) =	ssettag s2;
	_ =	strace s9  }
0x27: {  	s1 =	sld [smem:$0x3FA9]  }
0x28: {  	s2 =	sld [smem:$0x3FAA]  }
0x29: {  	s4 =	sld [smem:$0x3FAC]  }
0x2a: {  	p0 =	seq.s32 s5, $0x0;
	s5 =	sld [smem:$0x3FAD]  }
0x2b: {  	s6 =	sld [smem:$0x3FAE]  }
0x2c: {  	s7 =	sld [smem:$0x3FAF]  }
0x2d: {  	s3 =	simm.s32 $0x108;
	s8 =	sld [smem:$0x3FB0]  }
0x2e: {  	s3 =	simm.s32 @!p0 $0x1082;
	s9 =	sld [smem:$0x3FB1]  }
0x2f: {  	lr =	sadd.s32 s0, s3;
	s0 =	sld [smem:$0x3FA8]  }
0x30: {  	s3 =	sld [smem:$0x3FAB]  }
0x31: {  	[smem:$0x3FB4] =	sst s10  }
0x32: {  	s10 =	sld [smem:$0x3FB2];
	_ =	sdelay $0x3  }
0x33: {  	p0 =	seq.s32 s10, $0x1;
	s10 =	sld [smem:$0x3FB4];
	_ =	sdelay $0x3  }
0x34: {  	[smem:$0x3FB4] =	sst s10  }
0x35: {  	s10 =	sld [smem:$0x3FB3];
	_ =	sdelay $0x3  }
0x36: {  	p1 =	seq.s32 s10, $0x1;
	s10 =	sld [smem:$0x3FB4];
	_ =	sdelay $0x3  }
0x37: {  	[smem:$0x3FB4] =	sst s10  }
0x38: {  	s10 =	sld [smem:$0x3FB5]  }
0x39: {  	_ = 	snop;
	(pc) =	sbr.ind lr, $3  }
0x3a: {  	_ = 	snop  }
0x3b: {  	_ = 	snop  }
0x3c: {  	p2 =	seq.s32 s10, $0x1;
	s10 =	sld [smem:$0x3FB4]  }
0x3d: {  	_ =	shalt  }
0x3e: {  	_ =	shalt  }
0x3f: {  	_ =	shalt  }
0x40: {  	_ =	shalt  }
0x41: {  	_ =	shalt  }
0x42: {  	_ =	shalt  }
0x43: {  	_ =	shalt  }
0x44: {  	_ =	shalt  }
0x45: {  	_ =	shalt  }
0x46: {  	_ =	shalt  }
0x47: {  	_ =	shalt  }
0x48: {  	_ =	shalt  }
0x49: {  	_ =	shalt  }
0x4a: {  	_ =	shalt  }
0x4b: {  	_ =	shalt  }
0x4c: {  	_ =	shalt  }
0x4d: {  	_ =	shalt  }
0x4e: {  	_ =	shalt  }
0x4f: {  	_ =	shalt  }
0x50: {  	_ =	shalt  }
0x51: {  	_ =	shalt  }
0x52: {  	_ =	shalt  }
0x53: {  	_ =	shalt  }
0x54: {  	_ =	shalt  }
0x55: {  	_ =	shalt  }
0x56: {  	_ =	shalt  }
0x57: {  	_ =	shalt  }
0x58: {  	_ =	shalt  }
0x59: {  	_ =	shalt  }
0x5a: {  	_ =	shalt  }
0x5b: {  	_ =	shalt  }
0x5c: {  	_ =	shalt  }
0x5d: {  	_ =	shalt  }
0x5e: {  	_ =	shalt  }
0x5f: {  	_ =	shalt  }
0x60: {  	_ =	shalt  }
0x61: {  	_ =	shalt  }
0x62: {  	_ =	shalt  }
0x63: {  	_ =	shalt  }
0x64: {  	_ =	shalt  }
0x65: {  	_ =	shalt  }
0x66: {  	_ =	shalt  }
0x67: {  	_ =	shalt  }
0x68: {  	_ =	shalt  }
0x69: {  	_ =	shalt  }
0x6a: {  	_ =	shalt  }
0x6b: {  	_ =	shalt  }
0x6c: {  	_ =	shalt  }
0x6d: {  	_ =	shalt  }
0x6e: {  	_ =	shalt  }
0x6f: {  	_ =	shalt  }
0x70: {  	_ =	shalt  }
0x71: {  	_ =	shalt  }
0x72: {  	_ =	shalt  }
0x73: {  	_ =	shalt  }
0x74: {  	_ =	shalt  }
0x75: {  	_ =	shalt  }
0x76: {  	_ =	shalt  }
0x77: {  	_ =	shalt  }
0x78: {  	_ =	shalt  }
0x79: {  	_ =	shalt  }
0x7a: {  	_ =	shalt  }
0x7b: {  	_ =	shalt  }
0x7c: {  	_ =	shalt  }
0x7d: {  	_ =	shalt  }
0x7e: {  	_ =	shalt  }
0x7f: {  	_ =	shalt  }
0x80: {  	_ =	shalt  }
0x81: {  	_ =	shalt  }
0x82: {  	_ =	shalt  }
0x83: {  	_ =	shalt  }
0x84: {  	_ =	shalt  }
0x85: {  	_ =	shalt  }
0x86: {  	_ =	shalt  }
0x87: {  	_ =	shalt  }
.Lfunc_end0:
.L_simem_size_0:
called_computation_lowered:
.L_overlay_start_0:
0x88: {  	s2 =	sld [smem:$0x3FD9]  }
0x89: {  	s3 =	sld [smem:$0x3FFE];
	_ =	sdelay $0x1  }
0x8a: {  	s1 =	srdreg.scid  }
0x8b: {  	s0 =	sand.u32 $0x1, s1  }
0x8c: {  	s17 =	sshll.u32 s0, $0xA;
	s2 =	sadd.s32 s3, s2  }
0x8d: {  	s2 =	sadd.s32 s2, s17  }
0x8e: {  	[smem:$0x3FC0] =	sst s2  }
0x8f: {  	_ = 	snop  }
0x90: {  	s2 =	sld [smem:$0x3FC9];
	(tm) =	ssettm $0x1  }
0x91: {  	s18 =	sld [smem:$0x3FFB];
	_ =	sdelay $0x3  }
0x92: {  	_ =	strace s18  }
0x93: {  	s3 =	sld [smem:$0x3FFC];
	_ =	sdelay $0x3  }
0x94: {  	_ =	strace s3  }
0x95: {  	s3 =	sld [smem:$0x3FFD];
	_ =	sdelay $0x3  }
0x96: {  	_ =	strace s3  }
0x97: {  	_ =	strace $0x8FFFFFFF  }
0x98: {  	s19 =	sld [smem:$0x3FDB];
	_ =	sdelay $0x1  }
0x99: {  	s4 =	simm.s32 $_scs_section_size  }
0x9a: {  	s5 =	simm.s32 $_size__tile_overlayer_lowered;
	s6 =	simm.s32 $_tile_overlayer_lowered  }
0x9b: {  	s22 =	simm.s32 $0x1BFF;
	s21 =	sshll.u32 s6, $0x1;
	s3 =	sadd.s32 s4, s19  }
0x9c: {  	s7 =	simm.s32 $0x0;
	s20 =	sshll.u32 s5, $0x1;
	s5 =	sadd.s32 s21, s3  }
0x9d: {  	[timem:s7], [sflag:s22] =	dma.local [hbm:s5], s20  }
0x9e: {  	_ =	swait.ge [sflag:s22], s20  }
0x9f: {  	s4 =	ssub.s32 $0x0, s20;
	[sflag:s22] =	ssyncset.done $0x0  }
0xa0: {  	[sflag:s22] =	ssyncadd.s32 s4;
	_ =	sdelay $0x1  }
0xa1: {  	s23 =	simm.s32 $0x1B8B  }
0xa2: {  	_ =	swait.ge [sflag:s23], $0x1  }
0xa3: {  	[sflag:s23] =	ssyncset.done $0x0  }
0xa4: {  	s25 =	simm.s32 $0x1B8E;
	s24 =	sld [smem:$0x3FFE];
	[sflag:s23] =	ssyncadd.s32 $0xFFFFFFFF  }
0xa5: {  	s26 =	simm.s32 $execute0_lowered;
	[smem:$0x3FD2] =	sst s25  }
0xa6: {  	s5 =	sshll.u32 s26, $0x1;
	_ =	strace $0x80000046;
	[dreg:$0x1] =	wrdreg $0xFFFFFFFF  }
0xa7: {  	s28 =	simm.s32 $_size_execute0_lowered;
	s3 =	sadd.s32 s3, s5;
	[dreg:$0x0] =	wrdreg $0x0  }
0xa8: {  	s5 =	sshll.u32 s28, $0x1;
	[dreg:$0x2] =	wrdreg s3  }
0xa9: {  	[dreg:$0x3] =	wrdreg s5  }
0xaa: {  	[dreg:$0x4] =	wrdreg $0xC0  }
0xab: {  	_ =	task [dreg:s7], $0x5FFFF  }
0xac: {  	[dreg:$0x1] =	wrdreg $0xFFFFFFFF  }
0xad: {  	[dreg:$0x0] =	wrdreg $0x60  }
0xae: {  	[dreg:$0x2] =	wrdreg s24  }
0xaf: {  	[dreg:$0x3] =	wrdreg s2  }
0xb0: {  	[dreg:$0x4] =	wrdreg $0x9  }
0xb1: {  	_ =	task.clear_ibuf [dreg:s7], $0x5FFFF;
	_ =	strace $0x90000046  }
0xb2: {  	s29 =	simm.s32 $0x9;
	_ =	strace $0x80000048  }
0xb3: {  	_ =	swait.ge [sflag:s29], $0x1  }
0xb4: {  	[sflag:s29] =	ssyncadd.s32 $0xFFFFFFFF  }
0xb5: {  	_ =	strace $0x90000048  }
0xb6: {  	_ =	sfence  }
0xb7: {  	s30 =	sld [smem:$0x0];
	_ =	sdelay $0x2  }
0xb8: {  	s31 =	sshll.u32 s1, $0xD;
	s1 =	sshrl.u32 s1, $0x2  }
0xb9: {  	s3 =	sand.u32 $0x4000, s31;
	s1 =	sadd.s32 s1, s30  }
0xba: {  	s0 =	sor.u32 s3, s0;
	s1 =	sshll.u32 s1, $0x11  }
0xbb: {  	s0 =	sor.u32 s1, s0  }
0xbc: {  	s0 =	sadd.s32 $0x8F2B, s0  }
0xbd: {  	[sflag:s0] =	ssyncadd.remote.s32 $0x1  }
0xbe: {  	_ =	sfence.sel $0xFFFF  }
0xbf: {  	[dreg:$0x0] =	wrdreg $0xFFFFFFFF;
	(pc) =	sbr.abs _section_cstart, $3  }
0xc0: {  	[dreg:$0x1] =	wrdreg $0xFFFFFFFF  }
0xc1: {  	_ =	task.clear_ibuf [dreg:s7], $0x2FFFF;
	_ =	strace $0x9FFFFFFF  }
0xc2: {  	(tm) =	ssettm $0x7FFFFFFF  }
0xc3: {  	_ =	shalt  }
tec
execute0_lowered:
.L_overlay_start_1:
0x0: {  	(tag) =	ssettag $0x1  }
0x1: {  	s4 =	rddreg [dreg:$0x0]  }
0x2: {  	s5 =	rddreg [dreg:$0x1]  }
0x3: {  	s0 =	rddreg [dreg:$0x2];
	s2 =	simm.s32 $0x0;
	s3 =	srdreg.scid  }
0x4: {  	s1 =	stileid.u32;
	s10 =	simm.s32 $0x0;
	s6 =	sand.u32 $0x1, s3  }
0x5: {  	[smem:$0x7FF] =	sst s2;
	s7 =	sshll.u32 s1, $0xA;
	s8 =	sshll.u32 s6, $0x9  }
0x6: {  	s3 =	sadd.s32 $0x1200, s4;
	s6 =	ssub.s32 $0x2, s6;
	s7 =	sor.u32 s8, s7  }
0x7: {  	_ =	strace $0x80000047;
	s9 =	sshrl.u32 s6, $0x1;
	s8 =	sshll.u32 s7, $0x4  }
0x8: {  	s7 =	sshrl.u32 s7, $0x3;
	s6 =	ssub.s32 s6, s9;
	s9 =	simm.s32 $0x200  }
0x9: {  	s8 =	sadd.s32 s8, s4;
	s4 =	sadd.s32 s5, s7;
	s6 =	smax.u32 s6, $0x1  }
0xa: {  	s7 =	simm.s32 $0x2;
	s5 =	sadd.s32 $0xF61200, s8;
	s8 =	simm.s32 $0x1  }
.LBB2_1:
0xb: {  	[tilespmem:s2], [sflag:$0x2] =	stream.linear.gather [hbm4b:s4+s2], $0x200, $0x38;
	[tilespmem:$0x10200] =	vst v63  }
0xc: {  	_ =	swait.ge [sflag:s7], $0x200  }
0xd: {  	[sflag:s7] =	ssyncset.done $0x0  }
0xe: {  	[sflag:s7] =	ssyncadd.s32 $0xFFFFFE00  }
0xf: {  	v0 =	vld [tilespmem:s2+$0x0];
	_ =	sdelay $0x4  }
0x10: {  	v0 =	vshll.u32 v0, $0x4  }
0x11: {  	(v2sf) =	vpush v0, $0x0  }
0x12: {  	(v2sf) =	vpush v0, $0x1  }
0x13: {  	(v2sf) =	vpush v0, $0x2;
	_ =	sdelay $0x1  }
0x14: {  	(v2sf) =	vpush v0, $0x4;
	_ =	sdelay $0x1  }
0x15: {  	(v2sf) =	vpush v0, $0x3  }
0x16: {  	(v2sf) =	vpush v0, $0x5  }
0x17: {  	s12 =	simm.s32 $0x2000;
	s11 =	simm.s32 $0x0;
	s13 =	simm.s32 $0x0;
	(v2sf) =	vpush v0, $0x6  }
.LBB2_2:
0x18: {  	p0 =	sne.s32 s12, $0x3E000  }
0x19: {  	s23 =	sadd.s32 $0x280, s11;
	s17 =	sadd.s32 $0x780, s11;
	s14 =	smov.u32 s12  }
0x1a: {  	s12 =	sadd.s32 $0x2000, s12;
	s20 =	sadd.s32 $0x580, s11;
	s15 =	sadd.s32 $0x800, s11;
	(v2sf) =	vpush v0, $0x7  }
0x1b: {  	s22 =	sadd.s32 $0x480, s11;
	s19 =	sadd.s32 $0x600, s11;
	s16 =	sadd.s32 $0x880, s11  }
0x1c: {  	s24 =	sadd.s32 $0x200, s11;
	s25 =	sadd.s32 $0x400, s11;
	(v2sf) =	vpush v0, $0x8  }
0x1d: {  	s26 =	sadd.s32 $0x500, s11;
	s13 =	sadd.s32 $0x10, s13  }
0x1e: {  	s28 =	sadd.s32 $0x300, s11;
	s18 =	sadd.s32 $0x700, s11;
	s21 =	spop (v2sf);
	(v2sf) =	vpush v0, $0x9  }
0x1f: {  	s29 =	sand.u32 $0x1FFFFFF0, s21;
	s21 =	sadd.s32 $0x680, s11;
	s30 =	spop (v2sf)  }
0x20: {  	s29 =	sadd.s32 s3, s29;
	s30 =	sand.u32 $0x1FFFFFF0, s30;
	s31 =	spop (v2sf);
	(v2sf) =	vpush v0, $0xA  }
0x21: {  	[tilespmem:s24], [sflag:$0x1] =	stream.linear.gather [hbm4b:s29+s2], $0x80, $0x38;
	[tilespmem:$0x10200] =	vst v63  }
0x22: {  	s24 =	sadd.s32 s3, s30;
	s29 =	sadd.s32 $0x380, s11;
	s30 =	spop (v2sf);
	(v2sf) =	vpush v0, $0xB  }
0x23: {  	[tilespmem:s23], [sflag:$0x1] =	stream.linear.gather [hbm4b:s24+s2], $0x80, $0x38;
	[tilespmem:$0x10200] =	vst v63  }
0x24: {  	s23 =	sand.u32 $0x1FFFFFF0, s31;
	s24 =	sand.u32 $0x1FFFFFF0, s30;
	s30 =	spop (v2sf);
	(v2sf) =	vpush v0, $0xC  }
0x25: {  	s23 =	sadd.s32 s3, s23;
	s30 =	sand.u32 $0x1FFFFFF0, s30;
	s31 =	spop (v2sf)  }
0x26: {  	[tilespmem:s28], [sflag:$0x1] =	stream.linear.gather [hbm4b:s23+s2], $0x80, $0x38;
	(v2sf) =	vpush v0, $0xD;
	[tilespmem:$0x10200] =	vst v63  }
0x27: {  	s23 =	sadd.s32 s3, s30;
	s28 =	sand.u32 $0x1FFFFFF0, s31;
	s30 =	spop (v2sf)  }
0x28: {  	[tilespmem:s29], [sflag:$0x1] =	stream.linear.gather [hbm4b:s23+s2], $0x80, $0x38;
	(v2sf) =	vpush v0, $0xE;
	[tilespmem:$0x10200] =	vst v63  }
0x29: {  	s23 =	sadd.s32 s3, s24;
	s24 =	sand.u32 $0x1FFFFFF0, s30;
	s29 =	spop (v2sf)  }
0x2a: {  	[tilespmem:s25], [sflag:$0x1] =	stream.linear.gather [hbm4b:s23+s2], $0x80, $0x38;
	(v2sf) =	vpush v0, $0xF;
	[tilespmem:$0x10200] =	vst v63  }
0x2b: {  	s23 =	sadd.s32 s3, s28;
	s25 =	sand.u32 $0x1FFFFFF0, s29;
	s28 =	spop (v2sf)  }
0x2c: {  	[tilespmem:s22], [sflag:$0x1] =	stream.linear.gather [hbm4b:s23+s2], $0x80, $0x38;
	[tilespmem:$0x10200] =	vst v63  }
0x2d: {  	s22 =	sadd.s32 s3, s24;
	s23 =	sand.u32 $0x1FFFFFF0, s28;
	s24 =	spop (v2sf)  }
0x2e: {  	[tilespmem:s26], [sflag:$0x1] =	stream.linear.gather [hbm4b:s22+s2], $0x80, $0x38;
	[tilespmem:$0x10200] =	vst v63  }
0x2f: {  	s22 =	sadd.s32 s3, s25;
	s24 =	sand.u32 $0x1FFFFFF0, s24;
	s25 =	spop (v2sf)  }
0x30: {  	[tilespmem:s20], [sflag:$0x1] =	stream.linear.gather [hbm4b:s22+s2], $0x80, $0x38;
	[tilespmem:$0x10200] =	vst v63  }
0x31: {  	s20 =	sadd.s32 s3, s23;
	s22 =	sand.u32 $0x1FFFFFF0, s25;
	s23 =	spop (v2sf)  }
0x32: {  	[tilespmem:s19], [sflag:$0x1] =	stream.linear.gather [hbm4b:s20+s2], $0x80, $0x38;
	[tilespmem:$0x10200] =	vst v63  }
0x33: {  	s19 =	sadd.s32 s3, s24;
	s20 =	sand.u32 $0x1FFFFFF0, s23;
	s23 =	spop (v2sf)  }
0x34: {  	[tilespmem:s21], [sflag:$0x1] =	stream.linear.gather [hbm4b:s19+s2], $0x80, $0x38;
	[tilespmem:$0x10200] =	vst v63  }
0x35: {  	s19 =	sadd.s32 s3, s22;
	s21 =	sand.u32 $0x1FFFFFF0, s23;
	s22 =	spop (v2sf)  }
0x36: {  	[tilespmem:s18], [sflag:$0x1] =	stream.linear.gather [hbm4b:s19+s2], $0x80, $0x38;
	[tilespmem:$0x10200] =	vst v63  }
0x37: {  	s18 =	sadd.s32 s3, s20;
	s19 =	sand.u32 $0x1FFFFFF0, s22;
	s20 =	spop (v2sf)  }
0x38: {  	[tilespmem:s17], [sflag:$0x1] =	stream.linear.gather [hbm4b:s18+s2], $0x80, $0x38;
	[tilespmem:$0x10200] =	vst v63  }
0x39: {  	s17 =	sadd.s32 s3, s21;
	s18 =	sand.u32 $0x1FFFFFF0, s20;
	s20 =	spop (v2sf)  }
0x3a: {  	[tilespmem:s15], [sflag:$0x1] =	stream.linear.gather [hbm4b:s17+s2], $0x80, $0x38;
	[tilespmem:$0x10200] =	vst v63  }
0x3b: {  	s15 =	sadd.s32 s3, s19;
	s17 =	sand.u32 $0x1FFFFFF0, s20  }
0x3c: {  	[tilespmem:s16], [sflag:$0x1] =	stream.linear.gather [hbm4b:s15+s2], $0x80, $0x38;
	[tilespmem:$0x10200] =	vst v63  }
0x3d: {  	s15 =	sadd.s32 $0x900, s11;
	s16 =	sadd.s32 s3, s18  }
0x3e: {  	[tilespmem:s15], [sflag:$0x1] =	stream.linear.gather [hbm4b:s16+s2], $0x80, $0x38;
	[tilespmem:$0x10200] =	vst v63  }
0x3f: {  	s11 =	sadd.s32 $0x980, s11;
	s15 =	sadd.s32 s3, s17  }
0x40: {  	[tilespmem:s11], [sflag:$0x1] =	stream.linear.gather [hbm4b:s15+s2], $0x80, $0x38;
	[tilespmem:$0x10200] =	vst v63  }
0x41: {  	v0 =	vld [tilespmem:s13+$0x0];
	_ =	sdelay $0x4  }
0x42: {  	v0 =	vshll.u32 v0, $0x4  }
0x43: {  	(v2sf) =	vpush v0, $0x0  }
0x44: {  	(v2sf) =	vpush v0, $0x1  }
0x45: {  	(v2sf) =	vpush v0, $0x2;
	_ =	sdelay $0x1  }
0x46: {  	(v2sf) =	vpush v0, $0x4  }
.Ltmp0:
0x47: {  	(pc) =	sbr.rel @p0 .LBB2_2-.Ltmp0, $3  }
0x48: {  	(v2sf) =	vpush v0, $0x3  }
0x49: {  	(v2sf) =	vpush v0, $0x5;
	_ =	sdelay $0x1  }
0x4a: {  	s11 =	sshra.s32 s14, $0x2;
	(v2sf) =	vpush v0, $0x6  }
0x4b: {  	_ =	sdelay $0x1  }
0x4c: {  	s15 =	sadd.s32 $0x280, s11;
	s14 =	sadd.s32 $0x780, s11  }
0x4d: {  	s16 =	sadd.s32 $0x580, s11;
	s12 =	sadd.s32 $0x800, s11;
	(v2sf) =	vpush v0, $0x7;
	s17 =	sadd.s32 $0x480, s11  }
0x4e: {  	s18 =	sadd.s32 $0x600, s11;
	s13 =	sadd.s32 $0x880, s11;
	s19 =	sadd.s32 $0x200, s11  }
0x4f: {  	s20 =	sadd.s32 $0x400, s11;
	s21 =	sadd.s32 $0x500, s11;
	(v2sf) =	vpush v0, $0x8;
	s22 =	spop (v2sf)  }
0x50: {  	s23 =	sadd.s32 $0x300, s11;
	s22 =	sand.u32 $0x1FFFFFF0, s22;
	s24 =	spop (v2sf)  }
0x51: {  	(v2sf) =	vpush v0, $0x9;
	s22 =	sadd.s32 s3, s22;
	s24 =	sand.u32 $0x1FFFFFF0, s24;
	s25 =	spop (v2sf)  }
0x52: {  	[tilespmem:s19], [sflag:$0x1] =	stream.linear.gather [hbm4b:s22+s2], $0x80, $0x38;
	[tilespmem:$0x10200] =	vst v63  }
0x53: {  	s26 =	sadd.s32 $0x380, s11;
	(v2sf) =	vpush v0, $0xA;
	s30 =	sadd.s32 s3, s24;
	s31 =	spop (v2sf)  }
0x54: {  	[tilespmem:s15], [sflag:$0x1] =	stream.linear.gather [hbm4b:s30+s2], $0x80, $0x38;
	[tilespmem:$0x10200] =	vst v63  }
0x55: {  	s19 =	sadd.s32 $0x700, s11;
	s28 =	sand.u32 $0x1FFFFFF0, s25;
	(v2sf) =	vpush v0, $0xB;
	s29 =	spop (v2sf)  }
0x56: {  	s22 =	sadd.s32 s3, s28;
	s15 =	sadd.s32 $0x680, s11;
	s25 =	sand.u32 $0x1FFFFFF0, s29  }
0x57: {  	(v2sf) =	vpush v0, $0xC;
	[tilespmem:s23], [sflag:$0x1] =	stream.linear.gather [hbm4b:s22+s2], $0x80, $0x38;
	[tilespmem:$0x10200] =	vst v63  }
0x58: {  	s30 =	sand.u32 $0x1FFFFFF0, s31;
	s31 =	spop (v2sf);
	s28 =	sadd.s32 s3, s25  }
0x59: {  	(v2sf) =	vpush v0, $0xD;
	[tilespmem:s26], [sflag:$0x1] =	stream.linear.gather [hbm4b:s28+s2], $0x80, $0x38;
	[tilespmem:$0x10200] =	vst v63  }
0x5a: {  	s22 =	sadd.s32 s3, s30;
	s23 =	sand.u32 $0x1FFFFFF0, s31;
	s29 =	spop (v2sf)  }
0x5b: {  	(v2sf) =	vpush v0, $0xE;
	[tilespmem:s20], [sflag:$0x1] =	stream.linear.gather [hbm4b:s22+s2], $0x80, $0x38;
	[tilespmem:$0x10200] =	vst v63  }
0x5c: {  	s23 =	sadd.s32 s3, s23;
	s30 =	sand.u32 $0x1FFFFFF0, s29;
	s31 =	spop (v2sf)  }
0x5d: {  	(v2sf) =	vpush v0, $0xF;
	[tilespmem:s17], [sflag:$0x1] =	stream.linear.gather [hbm4b:s23+s2], $0x80, $0x38;
	[tilespmem:$0x10200] =	vst v63  }
0x5e: {  	s24 =	sand.u32 $0x1FFFFFF0, s31;
	s25 =	spop (v2sf);
	s20 =	sadd.s32 s3, s30  }
0x5f: {  	[tilespmem:s21], [sflag:$0x1] =	stream.linear.gather [hbm4b:s20+s2], $0x80, $0x38;
	[tilespmem:$0x10200] =	vst v63  }
0x60: {  	s26 =	sand.u32 $0x1FFFFFF0, s25;
	s17 =	sadd.s32 s3, s24;
	s28 =	spop (v2sf)  }
0x61: {  	[tilespmem:s16], [sflag:$0x1] =	stream.linear.gather [hbm4b:s17+s2], $0x80, $0x38;
	[tilespmem:$0x10200] =	vst v63  }
0x62: {  	s20 =	sadd.s32 s3, s26;
	s29 =	sand.u32 $0x1FFFFFF0, s28;
	s30 =	spop (v2sf)  }
0x63: {  	[tilespmem:s18], [sflag:$0x1] =	stream.linear.gather [hbm4b:s20+s2], $0x80, $0x38;
	[tilespmem:$0x10200] =	vst v63  }
0x64: {  	s17 =	sand.u32 $0x1FFFFFF0, s30;
	s16 =	sadd.s32 s3, s29;
	s31 =	spop (v2sf)  }
0x65: {  	[tilespmem:s15], [sflag:$0x1] =	stream.linear.gather [hbm4b:s16+s2], $0x80, $0x38;
	[tilespmem:$0x10200] =	vst v63  }
0x66: {  	s17 =	sadd.s32 s3, s17;
	s20 =	sand.u32 $0x1FFFFFF0, s31;
	s21 =	spop (v2sf)  }
0x67: {  	[tilespmem:s19], [sflag:$0x1] =	stream.linear.gather [hbm4b:s17+s2], $0x80, $0x38;
	[tilespmem:$0x10200] =	vst v63  }
0x68: {  	s15 =	sadd.s32 s3, s20;
	s16 =	sand.u32 $0x1FFFFFF0, s21;
	s22 =	spop (v2sf)  }
0x69: {  	[tilespmem:s14], [sflag:$0x1] =	stream.linear.gather [hbm4b:s15+s2], $0x80, $0x38;
	[tilespmem:$0x10200] =	vst v63  }
0x6a: {  	s23 =	sand.u32 $0x1FFFFFF0, s22;
	s16 =	sadd.s32 s3, s16;
	s24 =	spop (v2sf)  }
0x6b: {  	[tilespmem:s12], [sflag:$0x1] =	stream.linear.gather [hbm4b:s16+s2], $0x80, $0x38;
	[tilespmem:$0x10200] =	vst v63  }
0x6c: {  	s25 =	sand.u32 $0x1FFFFFF0, s24;
	s26 =	spop (v2sf);
	s14 =	sadd.s32 s3, s23  }
0x6d: {  	[tilespmem:s13], [sflag:$0x1] =	stream.linear.gather [hbm4b:s14+s2], $0x80, $0x38;
	[tilespmem:$0x10200] =	vst v63  }
0x6e: {  	s29 =	sadd.s32 $0x900, s11;
	s28 =	sand.u32 $0x1FFFFFF0, s26;
	s12 =	sadd.s32 s3, s25  }
0x6f: {  	[tilespmem:s29], [sflag:$0x1] =	stream.linear.gather [hbm4b:s12+s2], $0x80, $0x38;
	[tilespmem:$0x10200] =	vst v63  }
0x70: {  	s30 =	sadd.s32 $0x980, s11;
	s31 =	sadd.s32 s3, s28  }
0x71: {  	[tilespmem:s30], [sflag:$0x1] =	stream.linear.gather [hbm4b:s31+s2], $0x80, $0x38;
	[tilespmem:$0x10200] =	vst v63  }
0x72: {  	s10 =	sadd.s32 $0x1, s10;
	_ =	swait.ge [sflag:s8], $0x10000  }
0x73: {  	p0 =	sne.s32 s10, s6;
	[sflag:s8] =	ssyncset.done $0x0  }
.Ltmp1:
0x74: {  	[sflag:s8] =	ssyncadd.s32 $0xFFFF0000;
	(pc) =	sbr.rel @p0 .LBB2_1-.Ltmp1, $4  }
0x75: {  	[hbm4b:s5+s2] =	stream.linear.scatter [tilespmem:s9], [sflag:$0x2], $0x10000, $0x38;
	[tilespmem:$0x10200] =	vst v63  }
0x76: {  	_ =	swait.ge [sflag:s7], $0x10000  }
0x77: {  	[sflag:s7] =	ssyncset.done $0x0  }
0x78: {  	[sflag:s7] =	ssyncadd.s32 $0xFFFF0000  }
0x79: {  	_ =	sfence.sel $0x180000  }
0x7a: {  	[bflag:$0x0] =	sbarrier.arrive $0xFFFF  }
0x7b: {  	p0 =	sne.s32 s1, $0x0;
	_ =	strace $0x90000047  }
0x7c: {  	s0 =	sadd.s32 @!p0 $0x100000, s0;
	[bflag:$0x2] =	sbarrier.arrive $0xFFFF  }
0x7d: {  	[sflag:s0] =	ssyncadd.tile.s32 @!p0 $0x1;
	_ =	shalt  }
.Lfunc_end2:
_tile_overlayer_lowered:
.L_overlay_start_2:
0x7e: {  	(tag) =	ssettag $0x2  }
0x7f: {  	s0 =	rddreg [dreg:$0x0];
	s2 =	stileid.u32  }
0x80: {  	s1 =	rddreg [dreg:$0x1];
	p0 =	sne.s32 s2, $0x0  }
0x81: {  	s3 =	rddreg [dreg:$0x2];
	[bflag:$0x3] =	sbarrier.arrive $0xFFFF;
	s2 =	simm.s32 @!p0 $0x1C02  }
0x82: {  	[timem:s3], [sflag:s2] =	dma.local @!p0 [hbm:s0], s1  }
0x83: {  	s0 =	simm.s32 @!p0 $0x2  }
0x84: {  	_ =	swait.ge @!p0 [sflag:s0], s1  }
0x85: {  	s1 =	ssub.s32 @!p0 $0x0, s1;
	[sflag:s0] =	ssyncset.done @!p0 $0x0  }
0x86: {  	[sflag:s0] =	ssyncadd.s32 @!p0 s1  }
0x87: {  	[bflag:$0x3] =	sbarrier.arrive $0xFFFF  }
0x88: {  	_ =	shalt  }

</sc_bundles>
